<compile_context>
chip_gen: v7x
topology: tpu7x:2x2x1
jax: 0.10.2.dev20260603
libtpu: 0.0.44.dev20260713+nightly
codegen_flags: <defaults>
</compile_context>

<pallas_src>
import functools

import jax
import jax.numpy as jnp
from jax import lax
from jax.experimental import pallas as pl
from jax.experimental.pallas import tpu as pltpu
from jax.experimental.pallas import tpu_sc as plsc

_NW = 32
_CHUNK_ROWS = 16
_NBUF = 4
_RAHEAD = 2


def kernel(x, x_len):
    B, L, D = x.shape
    CW = _CHUNK_ROWS * D
    NCHUNKS = B * L * D // CW
    CPB = L * D // CW
    NPW = NCHUNKS // _NW
    assert NCHUNKS % _NW == 0 and NPW % _NBUF == 0 and L % _CHUNK_ROWS == 0
    xlen = x_len.astype(jnp.int32)
    xf = x.reshape(-1)

    mesh = plsc.VectorSubcoreMesh(core_axis_name="c", subcore_axis_name="s")

    @functools.partial(
        pl.kernel,
        out_type=jax.ShapeDtypeStruct((B * L * D,), jnp.float32),
        mesh=mesh,
        scratch_types=(
            [pltpu.VMEM((32,), jnp.int32)]
            + [pltpu.VMEM((CW,), jnp.float32) for _ in range(_NBUF + 1)]
            + [pltpu.SemaphoreType.DMA for _ in range(2 * _NBUF)]
        ),
    )
    def sqz(x_hbm, len_hbm, out_hbm, len_v, *rest):
        bufs = rest[:_NBUF]
        zbuf = rest[_NBUF]
        rsem = rest[_NBUF + 1:_NBUF + 1 + _NBUF]
        wsem = rest[_NBUF + 1 + _NBUF:]

        cid = lax.axis_index("c")
        sid = lax.axis_index("s")
        wid = sid * 2 + cid

        pltpu.sync_copy(len_hbm, len_v.at[pl.ds(0, 16)])
        zeros16 = jnp.zeros((16,), jnp.float32)

        def valid_words(c):
            b = c // CPB
            l = len_v[pl.ds(b, 16)][0]
            woff = (c % CPB) * CW
            return jnp.clip(l * D - woff, 0, CW)

        def read_start(c, k):
            pltpu.make_async_copy(
                x_hbm.at[pl.ds(c * CW, CW)], bufs[k], rsem[k]).start()

        def read_wait(c, k):
            pltpu.make_async_copy(
                x_hbm.at[pl.ds(c * CW, CW)], bufs[k], rsem[k]).wait()

        def write_start(src, c, k):
            pltpu.make_async_copy(
                src, out_hbm.at[pl.ds(c * CW, CW)], wsem[k]).start()

        def write_drain(k):
            pltpu.make_async_copy(
                zbuf, out_hbm.at[pl.ds(wid * CW, CW)], wsem[k]).wait()

        def zinit(t, carry):
            zbuf[pl.ds(t * 16, 16)] = zeros16
            return carry

        lax.fori_loop(0, CW // 16, zinit, 0)

        def chunk_of(i):
            return i * _NW + wid

        for i in range(_RAHEAD):
            c = chunk_of(i)
            nv = valid_words(c)

            @pl.when(nv > 0)
            def _(c=c, i=i):
                read_start(c, i % _NBUF)

        def group(g, carry):
            for k in range(_NBUF):
                i = g * _NBUF + k
                i2 = i + _RAHEAD
                k2 = (k + _RAHEAD) % _NBUF

                @pl.when(i2 < NPW)
                def _():
                    c2 = chunk_of(i2)
                    nv2 = valid_words(c2)

                    @pl.when(i2 >= _NBUF)
                    def _():
                        write_drain(k2)

                    @pl.when(nv2 > 0)
                    def _():
                        read_start(c2, k2)

                c = chunk_of(i)
                nv = valid_words(c)

                @pl.when(nv > 0)
                def _():
                    read_wait(c, k)

                    @pl.when(nv < CW)
                    def _():
                        def ztail(t, c3):
                            bufs[k][pl.ds(t * 16, 16)] = zeros16
                            return c3

                        lax.fori_loop(nv // 16, CW // 16, ztail, 0)

                    write_start(bufs[k], c, k)

                @pl.when(nv == 0)
                def _():
                    write_start(zbuf, c, k)

            return carry

        lax.fori_loop(0, NPW // _NBUF, group, 0)

        for k in range(_NBUF):
            write_drain(k)

    return sqz(xf, xlen).reshape(B, L, D)

# --- scband reference (transcript-rebuilt; emitter-appended) ---
"""Pipeline reference for scband-squeeze-embedding-41970420416814 (READ-ONLY COPY).

The authoritative reference and input builder live on the scoring server;
editing this copy changes nothing except your own understanding.
"""

import jax, jax.numpy as jnp
import numpy as np

B, L, D = 16, 2048, 1024

def setup_inputs(seed: int = 0) -> dict:
    key = jax.random.key(seed)
    k1, k2 = jax.random.split(key)
    x = jax.random.normal(k1, (B, L, D), dtype=jnp.float32)
    x_len = jax.random.randint(k2, (B,), 1, L + 1).astype(jnp.int64)
    # ensure at least one full-length sequence so the squeezed length is deterministic
    x_len = x_len.at[0].set(L)
    return {"x": x, "x_len": x_len}

def reference(x, x_len):
    # SqueezeEmbedding: sort by length desc -> pack -> pad_packed -> unsort.
    # Net effect: truncate to the max length in the batch and zero-pad positions
    # beyond each sequence's own length (pack/pad_packed zeroes the padding).
    max_len = x.shape[1]  # batch max length is always L since x_len[0] == L
    positions = jnp.arange(max_len)[None, :]  # [1, max_len]
    mask = (positions < x_len[:, None]).astype(x.dtype)  # [B, max_len]
    out = x[:, :max_len, :] * mask[:, :, None]
    return out

if __name__ == "__main__":
    import jax
    _d = setup_inputs()
    print(jax.jit(kernel)(*tuple(_d.values())))

</pallas_src>

<mosaic_0001>
#map = affine_map<(d0, d1) -> (0)>
module attributes {stable_mosaic.version = 14 : i64} {
  func.func @sqz(%arg0: i32, %arg1: i32, %arg2: memref<33554432xf32, #tpu.memory_space<hbm>>, %arg3: memref<16xi32, #tpu.memory_space<hbm>>, %arg4: memref<33554432xf32, #tpu.memory_space<hbm>>, %arg5: memref<32xi32, #tpu.memory_space<vmem>>, %arg6: memref<16384xf32, #tpu.memory_space<vmem>>, %arg7: memref<16384xf32, #tpu.memory_space<vmem>>, %arg8: memref<16384xf32, #tpu.memory_space<vmem>>, %arg9: memref<16384xf32, #tpu.memory_space<vmem>>, %arg10: memref<16384xf32, #tpu.memory_space<vmem>>, %arg11: memref<!tpu.dma_semaphore, #tpu.memory_space<semaphore_mem>>, %arg12: memref<!tpu.dma_semaphore, #tpu.memory_space<semaphore_mem>>, %arg13: memref<!tpu.dma_semaphore, #tpu.memory_space<semaphore_mem>>, %arg14: memref<!tpu.dma_semaphore, #tpu.memory_space<semaphore_mem>>, %arg15: memref<!tpu.dma_semaphore, #tpu.memory_space<semaphore_mem>>, %arg16: memref<!tpu.dma_semaphore, #tpu.memory_space<semaphore_mem>>, %arg17: memref<!tpu.dma_semaphore, #tpu.memory_space<semaphore_mem>>, %arg18: memref<!tpu.dma_semaphore, #tpu.memory_space<semaphore_mem>>) attributes {dimension_semantics = [#tpu.dimension_semantics<core_parallel>, #tpu.dimension_semantics<subcore_parallel>], iteration_bounds = array<i64: 2, 16>, scalar_prefetch = 0 : i64, scratch_operands = 14 : i64, tpu.core_type = #tpu.core_type<sc_vector_subcore>, window_params = [{transform_indices = #map}, {transform_indices = #map}, {transform_indices = #map}]} {
    %mul3A = arith.constant 2 : i32
    %mul3A_0 = arith.muli %arg1, %mul3A : i32
    %add3A = arith.addi %mul3A_0, %arg0 : i32
    "tpu.region"() ({
      %run_scoped3A = tpu.sem_alloc : memref<!tpu.dma_semaphore, #tpu.memory_space<semaphore_mem>>
      %dma_start3A = arith.constant 0 : i32
      %dma_start3A_132 = tpu.memref_slice %arg5[%dma_start3A] : memref<32xi32, #tpu.memory_space<vmem>> -> memref<16xi32, #tpu.memory_space<vmem>>
      %dma_start3A_133 = arith.constant 0 : i32
      %dma_start3A_134 = tpu.memref_slice %arg5[%dma_start3A_133] : memref<32xi32, #tpu.memory_space<vmem>> -> memref<16xi32, #tpu.memory_space<vmem>>
      tpu.enqueue_dma source(%arg3 : memref<16xi32, #tpu.memory_space<hbm>>) target(%dma_start3A_134 : memref<16xi32, #tpu.memory_space<vmem>>) target_semaphore(%run_scoped3A : memref<!tpu.dma_semaphore, #tpu.memory_space<semaphore_mem>>)
      %dma_wait3A_135 = arith.constant 0 : i32
      %dma_wait3A_136 = tpu.memref_slice %arg5[%dma_wait3A_135] : memref<32xi32, #tpu.memory_space<vmem>> -> memref<16xi32, #tpu.memory_space<vmem>>
      %dma_wait3A_137 = arith.constant 0 : i32
      %dma_wait3A_138 = tpu.memref_slice %arg5[%dma_wait3A_137] : memref<32xi32, #tpu.memory_space<vmem>> -> memref<16xi32, #tpu.memory_space<vmem>>
      tpu.wait_dma2 semaphore(%run_scoped3A : memref<!tpu.dma_semaphore, #tpu.memory_space<semaphore_mem>>) src(%arg3 : memref<16xi32, #tpu.memory_space<hbm>>) dst(%dma_wait3A_138 : memref<16xi32, #tpu.memory_space<vmem>>)
      tpu.yield
    }) : () -> ()
    %broadcast_in_dim3A = arith.constant 0.000000e+00 : f32
    %broadcast_in_dim3A_1 = vector.broadcast %broadcast_in_dim3A : f32 to vector<16xf32>
    %scan3A = arith.constant 0 : i32
    %scan3A_2 = arith.constant 0 : i32
    %scan3A_3 = arith.constant 1024 : i32
    %scan3A_4 = arith.addi %scan3A_2, %scan3A_3 : i32
    %scan3A_5 = arith.constant 1 : i32
    scf.for %scan3A_132 = %scan3A_2 to %scan3A_4 step %scan3A_5  : i32 {
      %mul3A_133 = arith.constant 16 : i32
      %mul3A_134 = arith.muli %scan3A_132, %mul3A_133 : i32
      %swap3A = arith.index_cast %mul3A_134 : i32 to index
      %swap3A_135 = tpu.vector_load %arg10[%swap3A] {strides = array<i32>} : memref<16384xf32, #tpu.memory_space<vmem>>, vector<16xf32>,
      %swap3A_136 = vector.shape_cast %swap3A_135 : vector<16xf32> to vector<16xf32>
      %swap3A_137 = vector.shape_cast %broadcast_in_dim3A_1 : vector<16xf32> to vector<16xf32>
      tpu.vector_store %arg10[%swap3A], %swap3A_137 {strides = array<i32>} : memref<16384xf32, #tpu.memory_space<vmem>>, vector<16xf32>,
    }
    %scan3A_6 = arith.constant 1024 : i32
    %add3A_7 = arith.constant 0 : i32
    %add3A_8 = arith.addi %add3A_7, %add3A : i32
    %jit3A = arith.constant 128 : i32
    %div3A = arith.divsi %add3A_8, %jit3A : i32
    %sign3A = arith.constant 0 : i32
    %sign3A_9 = arith.cmpi sgt, %add3A_8, %sign3A : i32
    %sign3A_10 = arith.extui %sign3A_9 : i1 to i32
    %sign3A_11 = arith.constant 0 : i32
    %sign3A_12 = arith.cmpi slt, %add3A_8, %sign3A_11 : i32
    %sign3A_13 = arith.extui %sign3A_12 : i1 to i32
    %sign3A_14 = arith.subi %sign3A_10, %sign3A_13 : i32
    %sign3A_15 = arith.constant 0 : i32
    %sign3A_16 = arith.cmpi sgt, %jit3A, %sign3A_15 : i32
    %sign3A_17 = arith.extui %sign3A_16 : i1 to i32
    %sign3A_18 = arith.constant 0 : i32
    %sign3A_19 = arith.cmpi slt, %jit3A, %sign3A_18 : i32
    %sign3A_20 = arith.extui %sign3A_19 : i1 to i32
    %sign3A_21 = arith.subi %sign3A_17, %sign3A_20 : i32
    %ne3A = arith.cmpi ne, %sign3A_14, %sign3A_21 : i32
    %rem3A = arith.remsi %add3A_8, %jit3A : i32
    %ne3A_22 = arith.constant 0 : i32
    %ne3A_23 = arith.cmpi ne, %rem3A, %ne3A_22 : i32
    %and3A = arith.andi %ne3A, %ne3A_23 : i1
    %sub3A = arith.constant 1 : i32
    %sub3A_24 = arith.subi %div3A, %sub3A : i32
    %select_n3A = arith.select %and3A, %sub3A_24, %div3A : i32
    %get3A = arith.index_cast %select_n3A : i32 to index
    %get3A_25 = tpu.vector_load %arg5[%get3A] {strides = array<i32>} : memref<32xi32, #tpu.memory_space<vmem>>, vector<16xi32>,
    %get3A_26 = vector.shape_cast %get3A_25 : vector<16xi32> to vector<16xi32>
    %slice3A = vector.extract_strided_slice %get3A_26 {offsets = [0], sizes = [1], strides = [1]} : vector<16xi32> to vector<1xi32>
    %squeeze3A = vector.extract %slice3A[0] : i32 from vector<1xi32>
    %jit3A_27 = arith.constant 128 : i32
    %eq3A = arith.constant 0 : i32
    %eq3A_28 = arith.cmpi eq, %jit3A_27, %eq3A : i32
    %jit3A_29 = arith.constant 1 : i32
    %select_n3A_30 = arith.select %eq3A_28, %jit3A_29, %jit3A_27 : i32
    %rem3A_31 = arith.remsi %add3A_8, %select_n3A_30 : i32
    %ne3A_32 = arith.constant 0 : i32
    %ne3A_33 = arith.cmpi ne, %rem3A_31, %ne3A_32 : i32
    %lt3A = arith.constant 0 : i32
    %lt3A_34 = arith.cmpi slt, %rem3A_31, %lt3A : i32
    %lt3A_35 = arith.constant 0 : i32
    %lt3A_36 = arith.cmpi slt, %select_n3A_30, %lt3A_35 : i32
    %ne3A_37 = arith.xori %lt3A_34, %lt3A_36 : i1
    %and3A_38 = arith.andi %ne3A_37, %ne3A_33 : i1
    %add3A_39 = arith.addi %rem3A_31, %select_n3A_30 : i32
    %select_n3A_40 = arith.select %and3A_38, %add3A_39, %rem3A_31 : i32
    %mul3A_41 = arith.constant 16384 : i32
    %mul3A_42 = arith.muli %select_n3A_40, %mul3A_41 : i32
    %mul3A_43 = arith.constant 1024 : i32
    %mul3A_44 = arith.muli %squeeze3A, %mul3A_43 : i32
    %sub3A_45 = arith.subi %mul3A_44, %mul3A_42 : i32
    %jit3A_46 = arith.constant 0 : i32
    %jit3A_47 = arith.constant 16384 : i32
    %max3A = arith.maxsi %jit3A_46, %sub3A_45 : i32
    %min3A = arith.minsi %jit3A_47, %max3A : i32
    %gt3A = arith.constant 0 : i32
    %gt3A_48 = arith.cmpi sgt, %min3A, %gt3A : i32
    %convert_element_type3A = arith.extui %gt3A_48 : i1 to i32
    %cond3A = arith.constant 0 : i32
    %cond3A_49 = arith.cmpi ne, %convert_element_type3A, %cond3A : i32
    scf.if %cond3A_49 {
      %mul3A_132 = arith.constant 16384 : i32
      %mul3A_133 = arith.muli %add3A_8, %mul3A_132 : i32
      %dma_start3A = tpu.memref_slice %arg2[%mul3A_133] : memref<33554432xf32, #tpu.memory_space<hbm>> -> memref<16384xf32, #tpu.memory_space<hbm>>
      %dma_start3A_134 = tpu.memref_slice %arg2[%mul3A_133] : memref<33554432xf32, #tpu.memory_space<hbm>> -> memref<16384xf32, #tpu.memory_space<hbm>>
      tpu.enqueue_dma source(%dma_start3A_134 : memref<16384xf32, #tpu.memory_space<hbm>>) target(%arg6 : memref<16384xf32, #tpu.memory_space<vmem>>) target_semaphore(%arg11 : memref<!tpu.dma_semaphore, #tpu.memory_space<semaphore_mem>>)
    } else {
    }
    %add3A_50 = arith.constant 32 : i32
    %add3A_51 = arith.addi %add3A_50, %add3A : i32
    %jit3A_52 = arith.constant 128 : i32
    %div3A_53 = arith.divsi %add3A_51, %jit3A_52 : i32
    %sign3A_54 = arith.constant 0 : i32
    %sign3A_55 = arith.cmpi sgt, %add3A_51, %sign3A_54 : i32
    %sign3A_56 = arith.extui %sign3A_55 : i1 to i32
    %sign3A_57 = arith.constant 0 : i32
    %sign3A_58 = arith.cmpi slt, %add3A_51, %sign3A_57 : i32
    %sign3A_59 = arith.extui %sign3A_58 : i1 to i32
    %sign3A_60 = arith.subi %sign3A_56, %sign3A_59 : i32
    %sign3A_61 = arith.constant 0 : i32
    %sign3A_62 = arith.cmpi sgt, %jit3A_52, %sign3A_61 : i32
    %sign3A_63 = arith.extui %sign3A_62 : i1 to i32
    %sign3A_64 = arith.constant 0 : i32
    %sign3A_65 = arith.cmpi slt, %jit3A_52, %sign3A_64 : i32
    %sign3A_66 = arith.extui %sign3A_65 : i1 to i32
    %sign3A_67 = arith.subi %sign3A_63, %sign3A_66 : i32
    %ne3A_68 = arith.cmpi ne, %sign3A_60, %sign3A_67 : i32
    %rem3A_69 = arith.remsi %add3A_51, %jit3A_52 : i32
    %ne3A_70 = arith.constant 0 : i32
    %ne3A_71 = arith.cmpi ne, %rem3A_69, %ne3A_70 : i32
    %and3A_72 = arith.andi %ne3A_68, %ne3A_71 : i1
    %sub3A_73 = arith.constant 1 : i32
    %sub3A_74 = arith.subi %div3A_53, %sub3A_73 : i32
    %select_n3A_75 = arith.select %and3A_72, %sub3A_74, %div3A_53 : i32
    %get3A_76 = arith.index_cast %select_n3A_75 : i32 to index
    %get3A_77 = tpu.vector_load %arg5[%get3A_76] {strides = array<i32>} : memref<32xi32, #tpu.memory_space<vmem>>, vector<16xi32>,
    %get3A_78 = vector.shape_cast %get3A_77 : vector<16xi32> to vector<16xi32>
    %slice3A_79 = vector.extract_strided_slice %get3A_78 {offsets = [0], sizes = [1], strides = [1]} : vector<16xi32> to vector<1xi32>
    %squeeze3A_80 = vector.extract %slice3A_79[0] : i32 from vector<1xi32>
    %jit3A_81 = arith.constant 128 : i32
    %eq3A_82 = arith.constant 0 : i32
    %eq3A_83 = arith.cmpi eq, %jit3A_81, %eq3A_82 : i32
    %jit3A_84 = arith.constant 1 : i32
    %select_n3A_85 = arith.select %eq3A_83, %jit3A_84, %jit3A_81 : i32
    %rem3A_86 = arith.remsi %add3A_51, %select_n3A_85 : i32
    %ne3A_87 = arith.constant 0 : i32
    %ne3A_88 = arith.cmpi ne, %rem3A_86, %ne3A_87 : i32
    %lt3A_89 = arith.constant 0 : i32
    %lt3A_90 = arith.cmpi slt, %rem3A_86, %lt3A_89 : i32
    %lt3A_91 = arith.constant 0 : i32
    %lt3A_92 = arith.cmpi slt, %select_n3A_85, %lt3A_91 : i32
    %ne3A_93 = arith.xori %lt3A_90, %lt3A_92 : i1
    %and3A_94 = arith.andi %ne3A_93, %ne3A_88 : i1
    %add3A_95 = arith.addi %rem3A_86, %select_n3A_85 : i32
    %select_n3A_96 = arith.select %and3A_94, %add3A_95, %rem3A_86 : i32
    %mul3A_97 = arith.constant 16384 : i32
    %mul3A_98 = arith.muli %select_n3A_96, %mul3A_97 : i32
    %mul3A_99 = arith.constant 1024 : i32
    %mul3A_100 = arith.muli %squeeze3A_80, %mul3A_99 : i32
    %sub3A_101 = arith.subi %mul3A_100, %mul3A_98 : i32
    %jit3A_102 = arith.constant 0 : i32
    %jit3A_103 = arith.constant 16384 : i32
    %max3A_104 = arith.maxsi %jit3A_102, %sub3A_101 : i32
    %min3A_105 = arith.minsi %jit3A_103, %max3A_104 : i32
    %gt3A_106 = arith.constant 0 : i32
    %gt3A_107 = arith.cmpi sgt, %min3A_105, %gt3A_106 : i32
    %convert_element_type3A_108 = arith.extui %gt3A_107 : i1 to i32
    %cond3A_109 = arith.constant 0 : i32
    %cond3A_110 = arith.cmpi ne, %convert_element_type3A_108, %cond3A_109 : i32
    scf.if %cond3A_110 {
      %mul3A_132 = arith.constant 16384 : i32
      %mul3A_133 = arith.muli %add3A_51, %mul3A_132 : i32
      %dma_start3A = tpu.memref_slice %arg2[%mul3A_133] : memref<33554432xf32, #tpu.memory_space<hbm>> -> memref<16384xf32, #tpu.memory_space<hbm>>
      %dma_start3A_134 = tpu.memref_slice %arg2[%mul3A_133] : memref<33554432xf32, #tpu.memory_space<hbm>> -> memref<16384xf32, #tpu.memory_space<hbm>>
      tpu.enqueue_dma source(%dma_start3A_134 : memref<16384xf32, #tpu.memory_space<hbm>>) target(%arg7 : memref<16384xf32, #tpu.memory_space<vmem>>) target_semaphore(%arg12 : memref<!tpu.dma_semaphore, #tpu.memory_space<semaphore_mem>>)
    } else {
    }
    %scan3A_111 = arith.constant 0 : i32
    %scan3A_112 = arith.constant 0 : i32
    %scan3A_113 = arith.constant 16 : i32
    %scan3A_114 = arith.addi %scan3A_112, %scan3A_113 : i32
    %scan3A_115 = arith.constant 1 : i32
    scf.for %scan3A_132 = %scan3A_112 to %scan3A_114 step %scan3A_115  : i32 {
      %mul3A_133 = arith.constant 4 : i32
      %mul3A_134 = arith.muli %scan3A_132, %mul3A_133 : i32
      %add3A_135 = arith.constant 0 : i32
      %add3A_136 = arith.addi %mul3A_134, %add3A_135 : i32
      %add3A_137 = arith.constant 2 : i32
      %add3A_138 = arith.addi %add3A_136, %add3A_137 : i32
      %lt3A_139 = arith.constant 64 : i32
      %lt3A_140 = arith.cmpi slt, %add3A_138, %lt3A_139 : i32
      %convert_element_type3A_141 = arith.extui %lt3A_140 : i1 to i32
      %cond3A_142 = arith.constant 0 : i32
      %cond3A_143 = arith.cmpi ne, %convert_element_type3A_141, %cond3A_142 : i32
      scf.if %cond3A_143 {
        %mul3A_445 = arith.constant 32 : i32
        %mul3A_446 = arith.muli %add3A_138, %mul3A_445 : i32
        %add3A_447 = arith.addi %mul3A_446, %add3A : i32
        %jit3A_448 = arith.constant 128 : i32
        %div3A_449 = arith.divsi %add3A_447, %jit3A_448 : i32
        %sign3A_450 = arith.constant 0 : i32
        %sign3A_451 = arith.cmpi sgt, %add3A_447, %sign3A_450 : i32
        %sign3A_452 = arith.extui %sign3A_451 : i1 to i32
        %sign3A_453 = arith.constant 0 : i32
        %sign3A_454 = arith.cmpi slt, %add3A_447, %sign3A_453 : i32
        %sign3A_455 = arith.extui %sign3A_454 : i1 to i32
        %sign3A_456 = arith.subi %sign3A_452, %sign3A_455 : i32
        %sign3A_457 = arith.constant 0 : i32
        %sign3A_458 = arith.cmpi sgt, %jit3A_448, %sign3A_457 : i32
        %sign3A_459 = arith.extui %sign3A_458 : i1 to i32
        %sign3A_460 = arith.constant 0 : i32
        %sign3A_461 = arith.cmpi slt, %jit3A_448, %sign3A_460 : i32
        %sign3A_462 = arith.extui %sign3A_461 : i1 to i32
        %sign3A_463 = arith.subi %sign3A_459, %sign3A_462 : i32
        %ne3A_464 = arith.cmpi ne, %sign3A_456, %sign3A_463 : i32
        %rem3A_465 = arith.remsi %add3A_447, %jit3A_448 : i32
        %ne3A_466 = arith.constant 0 : i32
        %ne3A_467 = arith.cmpi ne, %rem3A_465, %ne3A_466 : i32
        %and3A_468 = arith.andi %ne3A_464, %ne3A_467 : i1
        %sub3A_469 = arith.constant 1 : i32
        %sub3A_470 = arith.subi %div3A_449, %sub3A_469 : i32
        %select_n3A_471 = arith.select %and3A_468, %sub3A_470, %div3A_449 : i32
        %get3A_472 = arith.index_cast %select_n3A_471 : i32 to index
        %get3A_473 = tpu.vector_load %arg5[%get3A_472] {strides = array<i32>} : memref<32xi32, #tpu.memory_space<vmem>>, vector<16xi32>,
        %get3A_474 = vector.shape_cast %get3A_473 : vector<16xi32> to vector<16xi32>
        %slice3A_475 = vector.extract_strided_slice %get3A_474 {offsets = [0], sizes = [1], strides = [1]} : vector<16xi32> to vector<1xi32>
        %squeeze3A_476 = vector.extract %slice3A_475[0] : i32 from vector<1xi32>
        %jit3A_477 = arith.constant 128 : i32
        %eq3A_478 = arith.constant 0 : i32
        %eq3A_479 = arith.cmpi eq, %jit3A_477, %eq3A_478 : i32
        %jit3A_480 = arith.constant 1 : i32
        %select_n3A_481 = arith.select %eq3A_479, %jit3A_480, %jit3A_477 : i32
        %rem3A_482 = arith.remsi %add3A_447, %select_n3A_481 : i32
        %ne3A_483 = arith.constant 0 : i32
        %ne3A_484 = arith.cmpi ne, %rem3A_482, %ne3A_483 : i32
        %lt3A_485 = arith.constant 0 : i32
        %lt3A_486 = arith.cmpi slt, %rem3A_482, %lt3A_485 : i32
        %lt3A_487 = arith.constant 0 : i32
        %lt3A_488 = arith.cmpi slt, %select_n3A_481, %lt3A_487 : i32
        %ne3A_489 = arith.xori %lt3A_486, %lt3A_488 : i1
        %and3A_490 = arith.andi %ne3A_489, %ne3A_484 : i1
        %add3A_491 = arith.addi %rem3A_482, %select_n3A_481 : i32
        %select_n3A_492 = arith.select %and3A_490, %add3A_491, %rem3A_482 : i32
        %mul3A_493 = arith.constant 16384 : i32
        %mul3A_494 = arith.muli %select_n3A_492, %mul3A_493 : i32
        %mul3A_495 = arith.constant 1024 : i32
        %mul3A_496 = arith.muli %squeeze3A_476, %mul3A_495 : i32
        %sub3A_497 = arith.subi %mul3A_496, %mul3A_494 : i32
        %jit3A_498 = arith.constant 0 : i32
        %jit3A_499 = arith.constant 16384 : i32
        %max3A_500 = arith.maxsi %jit3A_498, %sub3A_497 : i32
        %min3A_501 = arith.minsi %jit3A_499, %max3A_500 : i32
        %ge3A = arith.constant 4 : i32
        %ge3A_502 = arith.cmpi sge, %add3A_138, %ge3A : i32
        %convert_element_type3A_503 = arith.extui %ge3A_502 : i1 to i32
        %cond3A_504 = arith.constant 0 : i32
        %cond3A_505 = arith.cmpi ne, %convert_element_type3A_503, %cond3A_504 : i32
        scf.if %cond3A_505 {
          %mul3A_511 = arith.constant 16384 : i32
          %mul3A_512 = arith.muli %add3A, %mul3A_511 : i32
          %dma_wait3A_513 = tpu.memref_slice %arg4[%mul3A_512] : memref<33554432xf32, #tpu.memory_space<hbm>> -> memref<16384xf32, #tpu.memory_space<hbm>>
          %dma_wait3A_514 = tpu.memref_slice %arg4[%mul3A_512] : memref<33554432xf32, #tpu.memory_space<hbm>> -> memref<16384xf32, #tpu.memory_space<hbm>>
          tpu.wait_dma2 semaphore(%arg17 : memref<!tpu.dma_semaphore, #tpu.memory_space<semaphore_mem>>) src(%arg10 : memref<16384xf32, #tpu.memory_space<vmem>>) dst(%dma_wait3A_514 : memref<16384xf32, #tpu.memory_space<hbm>>)
        } else {
        }
        %gt3A_506 = arith.constant 0 : i32
        %gt3A_507 = arith.cmpi sgt, %min3A_501, %gt3A_506 : i32
        %convert_element_type3A_508 = arith.extui %gt3A_507 : i1 to i32
        %cond3A_509 = arith.constant 0 : i32
        %cond3A_510 = arith.cmpi ne, %convert_element_type3A_508, %cond3A_509 : i32
        scf.if %cond3A_510 {
          %mul3A_511 = arith.constant 16384 : i32
          %mul3A_512 = arith.muli %add3A_447, %mul3A_511 : i32
          %dma_start3A = tpu.memref_slice %arg2[%mul3A_512] : memref<33554432xf32, #tpu.memory_space<hbm>> -> memref<16384xf32, #tpu.memory_space<hbm>>
          %dma_start3A_513 = tpu.memref_slice %arg2[%mul3A_512] : memref<33554432xf32, #tpu.memory_space<hbm>> -> memref<16384xf32, #tpu.memory_space<hbm>>
          tpu.enqueue_dma source(%dma_start3A_513 : memref<16384xf32, #tpu.memory_space<hbm>>) target(%arg8 : memref<16384xf32, #tpu.memory_space<vmem>>) target_semaphore(%arg13 : memref<!tpu.dma_semaphore, #tpu.memory_space<semaphore_mem>>)
        } else {
        }
      } else {
      }
      %mul3A_144 = arith.constant 32 : i32
      %mul3A_145 = arith.muli %add3A_136, %mul3A_144 : i32
      %add3A_146 = arith.addi %mul3A_145, %add3A : i32
      %jit3A_147 = arith.constant 128 : i32
      %div3A_148 = arith.divsi %add3A_146, %jit3A_147 : i32
      %sign3A_149 = arith.constant 0 : i32
      %sign3A_150 = arith.cmpi sgt, %add3A_146, %sign3A_149 : i32
      %sign3A_151 = arith.extui %sign3A_150 : i1 to i32
      %sign3A_152 = arith.constant 0 : i32
      %sign3A_153 = arith.cmpi slt, %add3A_146, %sign3A_152 : i32
      %sign3A_154 = arith.extui %sign3A_153 : i1 to i32
      %sign3A_155 = arith.subi %sign3A_151, %sign3A_154 : i32
      %sign3A_156 = arith.constant 0 : i32
      %sign3A_157 = arith.cmpi sgt, %jit3A_147, %sign3A_156 : i32
      %sign3A_158 = arith.extui %sign3A_157 : i1 to i32
      %sign3A_159 = arith.constant 0 : i32
      %sign3A_160 = arith.cmpi slt, %jit3A_147, %sign3A_159 : i32
      %sign3A_161 = arith.extui %sign3A_160 : i1 to i32
      %sign3A_162 = arith.subi %sign3A_158, %sign3A_161 : i32
      %ne3A_163 = arith.cmpi ne, %sign3A_155, %sign3A_162 : i32
      %rem3A_164 = arith.remsi %add3A_146, %jit3A_147 : i32
      %ne3A_165 = arith.constant 0 : i32
      %ne3A_166 = arith.cmpi ne, %rem3A_164, %ne3A_165 : i32
      %and3A_167 = arith.andi %ne3A_163, %ne3A_166 : i1
      %sub3A_168 = arith.constant 1 : i32
      %sub3A_169 = arith.subi %div3A_148, %sub3A_168 : i32
      %select_n3A_170 = arith.select %and3A_167, %sub3A_169, %div3A_148 : i32
      %get3A_171 = arith.index_cast %select_n3A_170 : i32 to index
      %get3A_172 = tpu.vector_load %arg5[%get3A_171] {strides = array<i32>} : memref<32xi32, #tpu.memory_space<vmem>>, vector<16xi32>,
      %get3A_173 = vector.shape_cast %get3A_172 : vector<16xi32> to vector<16xi32>
      %slice3A_174 = vector.extract_strided_slice %get3A_173 {offsets = [0], sizes = [1], strides = [1]} : vector<16xi32> to vector<1xi32>
      %squeeze3A_175 = vector.extract %slice3A_174[0] : i32 from vector<1xi32>
      %jit3A_176 = arith.constant 128 : i32
      %eq3A_177 = arith.constant 0 : i32
      %eq3A_178 = arith.cmpi eq, %jit3A_176, %eq3A_177 : i32
      %jit3A_179 = arith.constant 1 : i32
      %select_n3A_180 = arith.select %eq3A_178, %jit3A_179, %jit3A_176 : i32
      %rem3A_181 = arith.remsi %add3A_146, %select_n3A_180 : i32
      %ne3A_182 = arith.constant 0 : i32
      %ne3A_183 = arith.cmpi ne, %rem3A_181, %ne3A_182 : i32
      %lt3A_184 = arith.constant 0 : i32
      %lt3A_185 = arith.cmpi slt, %rem3A_181, %lt3A_184 : i32
      %lt3A_186 = arith.constant 0 : i32
      %lt3A_187 = arith.cmpi slt, %select_n3A_180, %lt3A_186 : i32
      %ne3A_188 = arith.xori %lt3A_185, %lt3A_187 : i1
      %and3A_189 = arith.andi %ne3A_188, %ne3A_183 : i1
      %add3A_190 = arith.addi %rem3A_181, %select_n3A_180 : i32
      %select_n3A_191 = arith.select %and3A_189, %add3A_190, %rem3A_181 : i32
      %mul3A_192 = arith.constant 16384 : i32
      %mul3A_193 = arith.muli %select_n3A_191, %mul3A_192 : i32
      %mul3A_194 = arith.constant 1024 : i32
      %mul3A_195 = arith.muli %squeeze3A_175, %mul3A_194 : i32
      %sub3A_196 = arith.subi %mul3A_195, %mul3A_193 : i32
      %jit3A_197 = arith.constant 0 : i32
      %jit3A_198 = arith.constant 16384 : i32
      %max3A_199 = arith.maxsi %jit3A_197, %sub3A_196 : i32
      %min3A_200 = arith.minsi %jit3A_198, %max3A_199 : i32
      %gt3A_201 = arith.constant 0 : i32
      %gt3A_202 = arith.cmpi sgt, %min3A_200, %gt3A_201 : i32
      %convert_element_type3A_203 = arith.extui %gt3A_202 : i1 to i32
      %cond3A_204 = arith.constant 0 : i32
      %cond3A_205 = arith.cmpi ne, %convert_element_type3A_203, %cond3A_204 : i32
      scf.if %cond3A_205 {
        %mul3A_445 = arith.constant 16384 : i32
        %mul3A_446 = arith.muli %add3A_146, %mul3A_445 : i32
        %dma_wait3A_447 = tpu.memref_slice %arg2[%mul3A_446] : memref<33554432xf32, #tpu.memory_space<hbm>> -> memref<16384xf32, #tpu.memory_space<hbm>>
        %dma_wait3A_448 = tpu.memref_slice %arg2[%mul3A_446] : memref<33554432xf32, #tpu.memory_space<hbm>> -> memref<16384xf32, #tpu.memory_space<hbm>>
        tpu.wait_dma2 semaphore(%arg11 : memref<!tpu.dma_semaphore, #tpu.memory_space<semaphore_mem>>) src(%dma_wait3A_448 : memref<16384xf32, #tpu.memory_space<hbm>>) dst(%arg6 : memref<16384xf32, #tpu.memory_space<vmem>>)
        %lt3A_449 = arith.constant 16384 : i32
        %lt3A_450 = arith.cmpi slt, %min3A_200, %lt3A_449 : i32
        %convert_element_type3A_451 = arith.extui %lt3A_450 : i1 to i32
        %cond3A_452 = arith.constant 0 : i32
        %cond3A_453 = arith.cmpi ne, %convert_element_type3A_451, %cond3A_452 : i32
        scf.if %cond3A_453 {
          %jit3A_457 = arith.constant 16 : i32
          %div3A_458 = arith.divsi %min3A_200, %jit3A_457 : i32
          %sign3A_459 = arith.constant 0 : i32
          %sign3A_460 = arith.cmpi sgt, %min3A_200, %sign3A_459 : i32
          %sign3A_461 = arith.extui %sign3A_460 : i1 to i32
          %sign3A_462 = arith.constant 0 : i32
          %sign3A_463 = arith.cmpi slt, %min3A_200, %sign3A_462 : i32
          %sign3A_464 = arith.extui %sign3A_463 : i1 to i32
          %sign3A_465 = arith.subi %sign3A_461, %sign3A_464 : i32
          %sign3A_466 = arith.constant 0 : i32
          %sign3A_467 = arith.cmpi sgt, %jit3A_457, %sign3A_466 : i32
          %sign3A_468 = arith.extui %sign3A_467 : i1 to i32
          %sign3A_469 = arith.constant 0 : i32
          %sign3A_470 = arith.cmpi slt, %jit3A_457, %sign3A_469 : i32
          %sign3A_471 = arith.extui %sign3A_470 : i1 to i32
          %sign3A_472 = arith.subi %sign3A_468, %sign3A_471 : i32
          %ne3A_473 = arith.cmpi ne, %sign3A_465, %sign3A_472 : i32
          %rem3A_474 = arith.remsi %min3A_200, %jit3A_457 : i32
          %ne3A_475 = arith.constant 0 : i32
          %ne3A_476 = arith.cmpi ne, %rem3A_474, %ne3A_475 : i32
          %and3A_477 = arith.andi %ne3A_473, %ne3A_476 : i1
          %sub3A_478 = arith.constant 1 : i32
          %sub3A_479 = arith.subi %div3A_458, %sub3A_478 : i32
          %select_n3A_480 = arith.select %and3A_477, %sub3A_479, %div3A_458 : i32
          %while3A = arith.constant 0 : i32
          %while3A_481 = arith.constant 1024 : i32
          %while3A_482 = arith.subi %while3A_481, %select_n3A_480 : i32
          %while3A_483 = arith.addi %select_n3A_480, %while3A_482 : i32
          %while3A_484 = arith.constant 1 : i32
          %while3A_485 = arith.divsi %while3A_482, %while3A_484 : i32
          %while3A_486 = arith.muli %while3A_485, %while3A_484 : i32
          %while3A_487 = arith.addi %select_n3A_480, %while3A_486 : i32
          %while3A_488 = arith.constant 1 : i32
          scf.for %while3A_490 = %select_n3A_480 to %while3A_487 step %while3A_488  : i32 {
            %mul3A_491 = arith.constant 16 : i32
            %mul3A_492 = arith.muli %while3A_490, %mul3A_491 : i32
            %swap3A = arith.index_cast %mul3A_492 : i32 to index
            %swap3A_493 = tpu.vector_load %arg6[%swap3A] {strides = array<i32>} : memref<16384xf32, #tpu.memory_space<vmem>>, vector<16xf32>,
            %swap3A_494 = vector.shape_cast %swap3A_493 : vector<16xf32> to vector<16xf32>
            %swap3A_495 = vector.shape_cast %broadcast_in_dim3A_1 : vector<16xf32> to vector<16xf32>
            tpu.vector_store %arg6[%swap3A], %swap3A_495 {strides = array<i32>} : memref<16384xf32, #tpu.memory_space<vmem>>, vector<16xf32>,
          }
          %while3A_489 = arith.constant 1 : i32
          scf.for %while3A_490 = %while3A_487 to %while3A_483 step %while3A_489  : i32 {
            %mul3A_491 = arith.constant 16 : i32
            %mul3A_492 = arith.muli %while3A_490, %mul3A_491 : i32
            %swap3A = arith.index_cast %mul3A_492 : i32 to index
            %swap3A_493 = tpu.vector_load %arg6[%swap3A] {strides = array<i32>} : memref<16384xf32, #tpu.memory_space<vmem>>, vector<16xf32>,
            %swap3A_494 = vector.shape_cast %swap3A_493 : vector<16xf32> to vector<16xf32>
            %swap3A_495 = vector.shape_cast %broadcast_in_dim3A_1 : vector<16xf32> to vector<16xf32>
            tpu.vector_store %arg6[%swap3A], %swap3A_495 {strides = array<i32>} : memref<16384xf32, #tpu.memory_space<vmem>>, vector<16xf32>,
          }
        } else {
        }
        %mul3A_454 = arith.constant 16384 : i32
        %mul3A_455 = arith.muli %add3A_146, %mul3A_454 : i32
        %dma_start3A = tpu.memref_slice %arg4[%mul3A_455] : memref<33554432xf32, #tpu.memory_space<hbm>> -> memref<16384xf32, #tpu.memory_space<hbm>>
        %dma_start3A_456 = tpu.memref_slice %arg4[%mul3A_455] : memref<33554432xf32, #tpu.memory_space<hbm>> -> memref<16384xf32, #tpu.memory_space<hbm>>
        tpu.enqueue_dma source(%arg6 : memref<16384xf32, #tpu.memory_space<vmem>>) target(%dma_start3A_456 : memref<16384xf32, #tpu.memory_space<hbm>>) target_semaphore(%arg15 : memref<!tpu.dma_semaphore, #tpu.memory_space<semaphore_mem>>)
      } else {
      }
      %eq3A_206 = arith.constant 0 : i32
      %eq3A_207 = arith.cmpi eq, %min3A_200, %eq3A_206 : i32
      %convert_element_type3A_208 = arith.extui %eq3A_207 : i1 to i32
      %cond3A_209 = arith.constant 0 : i32
      %cond3A_210 = arith.cmpi ne, %convert_element_type3A_208, %cond3A_209 : i32
      scf.if %cond3A_210 {
        %mul3A_445 = arith.constant 16384 : i32
        %mul3A_446 = arith.muli %add3A_146, %mul3A_445 : i32
        %dma_start3A = tpu.memref_slice %arg4[%mul3A_446] : memref<33554432xf32, #tpu.memory_space<hbm>> -> memref<16384xf32, #tpu.memory_space<hbm>>
        %dma_start3A_447 = tpu.memref_slice %arg4[%mul3A_446] : memref<33554432xf32, #tpu.memory_space<hbm>> -> memref<16384xf32, #tpu.memory_space<hbm>>
        tpu.enqueue_dma source(%arg10 : memref<16384xf32, #tpu.memory_space<vmem>>) target(%dma_start3A_447 : memref<16384xf32, #tpu.memory_space<hbm>>) target_semaphore(%arg15 : memref<!tpu.dma_semaphore, #tpu.memory_space<semaphore_mem>>)
      } else {
      }
      %mul3A_211 = arith.constant 4 : i32
      %mul3A_212 = arith.muli %scan3A_132, %mul3A_211 : i32
      %add3A_213 = arith.constant 1 : i32
      %add3A_214 = arith.addi %mul3A_212, %add3A_213 : i32
      %add3A_215 = arith.constant 2 : i32
      %add3A_216 = arith.addi %add3A_214, %add3A_215 : i32
      %lt3A_217 = arith.constant 64 : i32
      %lt3A_218 = arith.cmpi slt, %add3A_216, %lt3A_217 : i32
      %convert_element_type3A_219 = arith.extui %lt3A_218 : i1 to i32
      %cond3A_220 = arith.constant 0 : i32
      %cond3A_221 = arith.cmpi ne, %convert_element_type3A_219, %cond3A_220 : i32
      scf.if %cond3A_221 {
        %mul3A_445 = arith.constant 32 : i32
        %mul3A_446 = arith.muli %add3A_216, %mul3A_445 : i32
        %add3A_447 = arith.addi %mul3A_446, %add3A : i32
        %jit3A_448 = arith.constant 128 : i32
        %div3A_449 = arith.divsi %add3A_447, %jit3A_448 : i32
        %sign3A_450 = arith.constant 0 : i32
        %sign3A_451 = arith.cmpi sgt, %add3A_447, %sign3A_450 : i32
        %sign3A_452 = arith.extui %sign3A_451 : i1 to i32
        %sign3A_453 = arith.constant 0 : i32
        %sign3A_454 = arith.cmpi slt, %add3A_447, %sign3A_453 : i32
        %sign3A_455 = arith.extui %sign3A_454 : i1 to i32
        %sign3A_456 = arith.subi %sign3A_452, %sign3A_455 : i32
        %sign3A_457 = arith.constant 0 : i32
        %sign3A_458 = arith.cmpi sgt, %jit3A_448, %sign3A_457 : i32
        %sign3A_459 = arith.extui %sign3A_458 : i1 to i32
        %sign3A_460 = arith.constant 0 : i32
        %sign3A_461 = arith.cmpi slt, %jit3A_448, %sign3A_460 : i32
        %sign3A_462 = arith.extui %sign3A_461 : i1 to i32
        %sign3A_463 = arith.subi %sign3A_459, %sign3A_462 : i32
        %ne3A_464 = arith.cmpi ne, %sign3A_456, %sign3A_463 : i32
        %rem3A_465 = arith.remsi %add3A_447, %jit3A_448 : i32
        %ne3A_466 = arith.constant 0 : i32
        %ne3A_467 = arith.cmpi ne, %rem3A_465, %ne3A_466 : i32
        %and3A_468 = arith.andi %ne3A_464, %ne3A_467 : i1
        %sub3A_469 = arith.constant 1 : i32
        %sub3A_470 = arith.subi %div3A_449, %sub3A_469 : i32
        %select_n3A_471 = arith.select %and3A_468, %sub3A_470, %div3A_449 : i32
        %get3A_472 = arith.index_cast %select_n3A_471 : i32 to index
        %get3A_473 = tpu.vector_load %arg5[%get3A_472] {strides = array<i32>} : memref<32xi32, #tpu.memory_space<vmem>>, vector<16xi32>,
        %get3A_474 = vector.shape_cast %get3A_473 : vector<16xi32> to vector<16xi32>
        %slice3A_475 = vector.extract_strided_slice %get3A_474 {offsets = [0], sizes = [1], strides = [1]} : vector<16xi32> to vector<1xi32>
        %squeeze3A_476 = vector.extract %slice3A_475[0] : i32 from vector<1xi32>
        %jit3A_477 = arith.constant 128 : i32
        %eq3A_478 = arith.constant 0 : i32
        %eq3A_479 = arith.cmpi eq, %jit3A_477, %eq3A_478 : i32
        %jit3A_480 = arith.constant 1 : i32
        %select_n3A_481 = arith.select %eq3A_479, %jit3A_480, %jit3A_477 : i32
        %rem3A_482 = arith.remsi %add3A_447, %select_n3A_481 : i32
        %ne3A_483 = arith.constant 0 : i32
        %ne3A_484 = arith.cmpi ne, %rem3A_482, %ne3A_483 : i32
        %lt3A_485 = arith.constant 0 : i32
        %lt3A_486 = arith.cmpi slt, %rem3A_482, %lt3A_485 : i32
        %lt3A_487 = arith.constant 0 : i32
        %lt3A_488 = arith.cmpi slt, %select_n3A_481, %lt3A_487 : i32
        %ne3A_489 = arith.xori %lt3A_486, %lt3A_488 : i1
        %and3A_490 = arith.andi %ne3A_489, %ne3A_484 : i1
        %add3A_491 = arith.addi %rem3A_482, %select_n3A_481 : i32
        %select_n3A_492 = arith.select %and3A_490, %add3A_491, %rem3A_482 : i32
        %mul3A_493 = arith.constant 16384 : i32
        %mul3A_494 = arith.muli %select_n3A_492, %mul3A_493 : i32
        %mul3A_495 = arith.constant 1024 : i32
        %mul3A_496 = arith.muli %squeeze3A_476, %mul3A_495 : i32
        %sub3A_497 = arith.subi %mul3A_496, %mul3A_494 : i32
        %jit3A_498 = arith.constant 0 : i32
        %jit3A_499 = arith.constant 16384 : i32
        %max3A_500 = arith.maxsi %jit3A_498, %sub3A_497 : i32
        %min3A_501 = arith.minsi %jit3A_499, %max3A_500 : i32
        %ge3A = arith.constant 4 : i32
        %ge3A_502 = arith.cmpi sge, %add3A_216, %ge3A : i32
        %convert_element_type3A_503 = arith.extui %ge3A_502 : i1 to i32
        %cond3A_504 = arith.constant 0 : i32
        %cond3A_505 = arith.cmpi ne, %convert_element_type3A_503, %cond3A_504 : i32
        scf.if %cond3A_505 {
          %mul3A_511 = arith.constant 16384 : i32
          %mul3A_512 = arith.muli %add3A, %mul3A_511 : i32
          %dma_wait3A_513 = tpu.memref_slice %arg4[%mul3A_512] : memref<33554432xf32, #tpu.memory_space<hbm>> -> memref<16384xf32, #tpu.memory_space<hbm>>
          %dma_wait3A_514 = tpu.memref_slice %arg4[%mul3A_512] : memref<33554432xf32, #tpu.memory_space<hbm>> -> memref<16384xf32, #tpu.memory_space<hbm>>
          tpu.wait_dma2 semaphore(%arg18 : memref<!tpu.dma_semaphore, #tpu.memory_space<semaphore_mem>>) src(%arg10 : memref<16384xf32, #tpu.memory_space<vmem>>) dst(%dma_wait3A_514 : memref<16384xf32, #tpu.memory_space<hbm>>)
        } else {
        }
        %gt3A_506 = arith.constant 0 : i32
        %gt3A_507 = arith.cmpi sgt, %min3A_501, %gt3A_506 : i32
        %convert_element_type3A_508 = arith.extui %gt3A_507 : i1 to i32
        %cond3A_509 = arith.constant 0 : i32
        %cond3A_510 = arith.cmpi ne, %convert_element_type3A_508, %cond3A_509 : i32
        scf.if %cond3A_510 {
          %mul3A_511 = arith.constant 16384 : i32
          %mul3A_512 = arith.muli %add3A_447, %mul3A_511 : i32
          %dma_start3A = tpu.memref_slice %arg2[%mul3A_512] : memref<33554432xf32, #tpu.memory_space<hbm>> -> memref<16384xf32, #tpu.memory_space<hbm>>
          %dma_start3A_513 = tpu.memref_slice %arg2[%mul3A_512] : memref<33554432xf32, #tpu.memory_space<hbm>> -> memref<16384xf32, #tpu.memory_space<hbm>>
          tpu.enqueue_dma source(%dma_start3A_513 : memref<16384xf32, #tpu.memory_space<hbm>>) target(%arg9 : memref<16384xf32, #tpu.memory_space<vmem>>) target_semaphore(%arg14 : memref<!tpu.dma_semaphore, #tpu.memory_space<semaphore_mem>>)
        } else {
        }
      } else {
      }
      %mul3A_222 = arith.constant 32 : i32
      %mul3A_223 = arith.muli %add3A_214, %mul3A_222 : i32
      %add3A_224 = arith.addi %mul3A_223, %add3A : i32
      %jit3A_225 = arith.constant 128 : i32
      %div3A_226 = arith.divsi %add3A_224, %jit3A_225 : i32
      %sign3A_227 = arith.constant 0 : i32
      %sign3A_228 = arith.cmpi sgt, %add3A_224, %sign3A_227 : i32
      %sign3A_229 = arith.extui %sign3A_228 : i1 to i32
      %sign3A_230 = arith.constant 0 : i32
      %sign3A_231 = arith.cmpi slt, %add3A_224, %sign3A_230 : i32
      %sign3A_232 = arith.extui %sign3A_231 : i1 to i32
      %sign3A_233 = arith.subi %sign3A_229, %sign3A_232 : i32
      %sign3A_234 = arith.constant 0 : i32
      %sign3A_235 = arith.cmpi sgt, %jit3A_225, %sign3A_234 : i32
      %sign3A_236 = arith.extui %sign3A_235 : i1 to i32
      %sign3A_237 = arith.constant 0 : i32
      %sign3A_238 = arith.cmpi slt, %jit3A_225, %sign3A_237 : i32
      %sign3A_239 = arith.extui %sign3A_238 : i1 to i32
      %sign3A_240 = arith.subi %sign3A_236, %sign3A_239 : i32
      %ne3A_241 = arith.cmpi ne, %sign3A_233, %sign3A_240 : i32
      %rem3A_242 = arith.remsi %add3A_224, %jit3A_225 : i32
      %ne3A_243 = arith.constant 0 : i32
      %ne3A_244 = arith.cmpi ne, %rem3A_242, %ne3A_243 : i32
      %and3A_245 = arith.andi %ne3A_241, %ne3A_244 : i1
      %sub3A_246 = arith.constant 1 : i32
      %sub3A_247 = arith.subi %div3A_226, %sub3A_246 : i32
      %select_n3A_248 = arith.select %and3A_245, %sub3A_247, %div3A_226 : i32
      %get3A_249 = arith.index_cast %select_n3A_248 : i32 to index
      %get3A_250 = tpu.vector_load %arg5[%get3A_249] {strides = array<i32>} : memref<32xi32, #tpu.memory_space<vmem>>, vector<16xi32>,
      %get3A_251 = vector.shape_cast %get3A_250 : vector<16xi32> to vector<16xi32>
      %slice3A_252 = vector.extract_strided_slice %get3A_251 {offsets = [0], sizes = [1], strides = [1]} : vector<16xi32> to vector<1xi32>
      %squeeze3A_253 = vector.extract %slice3A_252[0] : i32 from vector<1xi32>
      %jit3A_254 = arith.constant 128 : i32
      %eq3A_255 = arith.constant 0 : i32
      %eq3A_256 = arith.cmpi eq, %jit3A_254, %eq3A_255 : i32
      %jit3A_257 = arith.constant 1 : i32
      %select_n3A_258 = arith.select %eq3A_256, %jit3A_257, %jit3A_254 : i32
      %rem3A_259 = arith.remsi %add3A_224, %select_n3A_258 : i32
      %ne3A_260 = arith.constant 0 : i32
      %ne3A_261 = arith.cmpi ne, %rem3A_259, %ne3A_260 : i32
      %lt3A_262 = arith.constant 0 : i32
      %lt3A_263 = arith.cmpi slt, %rem3A_259, %lt3A_262 : i32
      %lt3A_264 = arith.constant 0 : i32
      %lt3A_265 = arith.cmpi slt, %select_n3A_258, %lt3A_264 : i32
      %ne3A_266 = arith.xori %lt3A_263, %lt3A_265 : i1
      %and3A_267 = arith.andi %ne3A_266, %ne3A_261 : i1
      %add3A_268 = arith.addi %rem3A_259, %select_n3A_258 : i32
      %select_n3A_269 = arith.select %and3A_267, %add3A_268, %rem3A_259 : i32
      %mul3A_270 = arith.constant 16384 : i32
      %mul3A_271 = arith.muli %select_n3A_269, %mul3A_270 : i32
      %mul3A_272 = arith.constant 1024 : i32
      %mul3A_273 = arith.muli %squeeze3A_253, %mul3A_272 : i32
      %sub3A_274 = arith.subi %mul3A_273, %mul3A_271 : i32
      %jit3A_275 = arith.constant 0 : i32
      %jit3A_276 = arith.constant 16384 : i32
      %max3A_277 = arith.maxsi %jit3A_275, %sub3A_274 : i32
      %min3A_278 = arith.minsi %jit3A_276, %max3A_277 : i32
      %gt3A_279 = arith.constant 0 : i32
      %gt3A_280 = arith.cmpi sgt, %min3A_278, %gt3A_279 : i32
      %convert_element_type3A_281 = arith.extui %gt3A_280 : i1 to i32
      %cond3A_282 = arith.constant 0 : i32
      %cond3A_283 = arith.cmpi ne, %convert_element_type3A_281, %cond3A_282 : i32
      scf.if %cond3A_283 {
        %mul3A_445 = arith.constant 16384 : i32
        %mul3A_446 = arith.muli %add3A_224, %mul3A_445 : i32
        %dma_wait3A_447 = tpu.memref_slice %arg2[%mul3A_446] : memref<33554432xf32, #tpu.memory_space<hbm>> -> memref<16384xf32, #tpu.memory_space<hbm>>
        %dma_wait3A_448 = tpu.memref_slice %arg2[%mul3A_446] : memref<33554432xf32, #tpu.memory_space<hbm>> -> memref<16384xf32, #tpu.memory_space<hbm>>
        tpu.wait_dma2 semaphore(%arg12 : memref<!tpu.dma_semaphore, #tpu.memory_space<semaphore_mem>>) src(%dma_wait3A_448 : memref<16384xf32, #tpu.memory_space<hbm>>) dst(%arg7 : memref<16384xf32, #tpu.memory_space<vmem>>)
        %lt3A_449 = arith.constant 16384 : i32
        %lt3A_450 = arith.cmpi slt, %min3A_278, %lt3A_449 : i32
        %convert_element_type3A_451 = arith.extui %lt3A_450 : i1 to i32
        %cond3A_452 = arith.constant 0 : i32
        %cond3A_453 = arith.cmpi ne, %convert_element_type3A_451, %cond3A_452 : i32
        scf.if %cond3A_453 {
          %jit3A_457 = arith.constant 16 : i32
          %div3A_458 = arith.divsi %min3A_278, %jit3A_457 : i32
          %sign3A_459 = arith.constant 0 : i32
          %sign3A_460 = arith.cmpi sgt, %min3A_278, %sign3A_459 : i32
          %sign3A_461 = arith.extui %sign3A_460 : i1 to i32
          %sign3A_462 = arith.constant 0 : i32
          %sign3A_463 = arith.cmpi slt, %min3A_278, %sign3A_462 : i32
          %sign3A_464 = arith.extui %sign3A_463 : i1 to i32
          %sign3A_465 = arith.subi %sign3A_461, %sign3A_464 : i32
          %sign3A_466 = arith.constant 0 : i32
          %sign3A_467 = arith.cmpi sgt, %jit3A_457, %sign3A_466 : i32
          %sign3A_468 = arith.extui %sign3A_467 : i1 to i32
          %sign3A_469 = arith.constant 0 : i32
          %sign3A_470 = arith.cmpi slt, %jit3A_457, %sign3A_469 : i32
          %sign3A_471 = arith.extui %sign3A_470 : i1 to i32
          %sign3A_472 = arith.subi %sign3A_468, %sign3A_471 : i32
          %ne3A_473 = arith.cmpi ne, %sign3A_465, %sign3A_472 : i32
          %rem3A_474 = arith.remsi %min3A_278, %jit3A_457 : i32
          %ne3A_475 = arith.constant 0 : i32
          %ne3A_476 = arith.cmpi ne, %rem3A_474, %ne3A_475 : i32
          %and3A_477 = arith.andi %ne3A_473, %ne3A_476 : i1
          %sub3A_478 = arith.constant 1 : i32
          %sub3A_479 = arith.subi %div3A_458, %sub3A_478 : i32
          %select_n3A_480 = arith.select %and3A_477, %sub3A_479, %div3A_458 : i32
          %while3A = arith.constant 0 : i32
          %while3A_481 = arith.constant 1024 : i32
          %while3A_482 = arith.subi %while3A_481, %select_n3A_480 : i32
          %while3A_483 = arith.addi %select_n3A_480, %while3A_482 : i32
          %while3A_484 = arith.constant 1 : i32
          %while3A_485 = arith.divsi %while3A_482, %while3A_484 : i32
          %while3A_486 = arith.muli %while3A_485, %while3A_484 : i32
          %while3A_487 = arith.addi %select_n3A_480, %while3A_486 : i32
          %while3A_488 = arith.constant 1 : i32
          scf.for %while3A_490 = %select_n3A_480 to %while3A_487 step %while3A_488  : i32 {
            %mul3A_491 = arith.constant 16 : i32
            %mul3A_492 = arith.muli %while3A_490, %mul3A_491 : i32
            %swap3A = arith.index_cast %mul3A_492 : i32 to index
            %swap3A_493 = tpu.vector_load %arg7[%swap3A] {strides = array<i32>} : memref<16384xf32, #tpu.memory_space<vmem>>, vector<16xf32>,
            %swap3A_494 = vector.shape_cast %swap3A_493 : vector<16xf32> to vector<16xf32>
            %swap3A_495 = vector.shape_cast %broadcast_in_dim3A_1 : vector<16xf32> to vector<16xf32>
            tpu.vector_store %arg7[%swap3A], %swap3A_495 {strides = array<i32>} : memref<16384xf32, #tpu.memory_space<vmem>>, vector<16xf32>,
          }
          %while3A_489 = arith.constant 1 : i32
          scf.for %while3A_490 = %while3A_487 to %while3A_483 step %while3A_489  : i32 {
            %mul3A_491 = arith.constant 16 : i32
            %mul3A_492 = arith.muli %while3A_490, %mul3A_491 : i32
            %swap3A = arith.index_cast %mul3A_492 : i32 to index
            %swap3A_493 = tpu.vector_load %arg7[%swap3A] {strides = array<i32>} : memref<16384xf32, #tpu.memory_space<vmem>>, vector<16xf32>,
            %swap3A_494 = vector.shape_cast %swap3A_493 : vector<16xf32> to vector<16xf32>
            %swap3A_495 = vector.shape_cast %broadcast_in_dim3A_1 : vector<16xf32> to vector<16xf32>
            tpu.vector_store %arg7[%swap3A], %swap3A_495 {strides = array<i32>} : memref<16384xf32, #tpu.memory_space<vmem>>, vector<16xf32>,
          }
        } else {
        }
        %mul3A_454 = arith.constant 16384 : i32
        %mul3A_455 = arith.muli %add3A_224, %mul3A_454 : i32
        %dma_start3A = tpu.memref_slice %arg4[%mul3A_455] : memref<33554432xf32, #tpu.memory_space<hbm>> -> memref<16384xf32, #tpu.memory_space<hbm>>
        %dma_start3A_456 = tpu.memref_slice %arg4[%mul3A_455] : memref<33554432xf32, #tpu.memory_space<hbm>> -> memref<16384xf32, #tpu.memory_space<hbm>>
        tpu.enqueue_dma source(%arg7 : memref<16384xf32, #tpu.memory_space<vmem>>) target(%dma_start3A_456 : memref<16384xf32, #tpu.memory_space<hbm>>) target_semaphore(%arg16 : memref<!tpu.dma_semaphore, #tpu.memory_space<semaphore_mem>>)
      } else {
      }
      %eq3A_284 = arith.constant 0 : i32
      %eq3A_285 = arith.cmpi eq, %min3A_278, %eq3A_284 : i32
      %convert_element_type3A_286 = arith.extui %eq3A_285 : i1 to i32
      %cond3A_287 = arith.constant 0 : i32
      %cond3A_288 = arith.cmpi ne, %convert_element_type3A_286, %cond3A_287 : i32
      scf.if %cond3A_288 {
        %mul3A_445 = arith.constant 16384 : i32
        %mul3A_446 = arith.muli %add3A_224, %mul3A_445 : i32
        %dma_start3A = tpu.memref_slice %arg4[%mul3A_446] : memref<33554432xf32, #tpu.memory_space<hbm>> -> memref<16384xf32, #tpu.memory_space<hbm>>
        %dma_start3A_447 = tpu.memref_slice %arg4[%mul3A_446] : memref<33554432xf32, #tpu.memory_space<hbm>> -> memref<16384xf32, #tpu.memory_space<hbm>>
        tpu.enqueue_dma source(%arg10 : memref<16384xf32, #tpu.memory_space<vmem>>) target(%dma_start3A_447 : memref<16384xf32, #tpu.memory_space<hbm>>) target_semaphore(%arg16 : memref<!tpu.dma_semaphore, #tpu.memory_space<semaphore_mem>>)
      } else {
      }
      %mul3A_289 = arith.constant 4 : i32
      %mul3A_290 = arith.muli %scan3A_132, %mul3A_289 : i32
      %add3A_291 = arith.constant 2 : i32
      %add3A_292 = arith.addi %mul3A_290, %add3A_291 : i32
      %add3A_293 = arith.constant 2 : i32
      %add3A_294 = arith.addi %add3A_292, %add3A_293 : i32
      %lt3A_295 = arith.constant 64 : i32
      %lt3A_296 = arith.cmpi slt, %add3A_294, %lt3A_295 : i32
      %convert_element_type3A_297 = arith.extui %lt3A_296 : i1 to i32
      %cond3A_298 = arith.constant 0 : i32
      %cond3A_299 = arith.cmpi ne, %convert_element_type3A_297, %cond3A_298 : i32
      scf.if %cond3A_299 {
        %mul3A_445 = arith.constant 32 : i32
        %mul3A_446 = arith.muli %add3A_294, %mul3A_445 : i32
        %add3A_447 = arith.addi %mul3A_446, %add3A : i32
        %jit3A_448 = arith.constant 128 : i32
        %div3A_449 = arith.divsi %add3A_447, %jit3A_448 : i32
        %sign3A_450 = arith.constant 0 : i32
        %sign3A_451 = arith.cmpi sgt, %add3A_447, %sign3A_450 : i32
        %sign3A_452 = arith.extui %sign3A_451 : i1 to i32
        %sign3A_453 = arith.constant 0 : i32
        %sign3A_454 = arith.cmpi slt, %add3A_447, %sign3A_453 : i32
        %sign3A_455 = arith.extui %sign3A_454 : i1 to i32
        %sign3A_456 = arith.subi %sign3A_452, %sign3A_455 : i32
        %sign3A_457 = arith.constant 0 : i32
        %sign3A_458 = arith.cmpi sgt, %jit3A_448, %sign3A_457 : i32
        %sign3A_459 = arith.extui %sign3A_458 : i1 to i32
        %sign3A_460 = arith.constant 0 : i32
        %sign3A_461 = arith.cmpi slt, %jit3A_448, %sign3A_460 : i32
        %sign3A_462 = arith.extui %sign3A_461 : i1 to i32
        %sign3A_463 = arith.subi %sign3A_459, %sign3A_462 : i32
        %ne3A_464 = arith.cmpi ne, %sign3A_456, %sign3A_463 : i32
        %rem3A_465 = arith.remsi %add3A_447, %jit3A_448 : i32
        %ne3A_466 = arith.constant 0 : i32
        %ne3A_467 = arith.cmpi ne, %rem3A_465, %ne3A_466 : i32
        %and3A_468 = arith.andi %ne3A_464, %ne3A_467 : i1
        %sub3A_469 = arith.constant 1 : i32
        %sub3A_470 = arith.subi %div3A_449, %sub3A_469 : i32
        %select_n3A_471 = arith.select %and3A_468, %sub3A_470, %div3A_449 : i32
        %get3A_472 = arith.index_cast %select_n3A_471 : i32 to index
        %get3A_473 = tpu.vector_load %arg5[%get3A_472] {strides = array<i32>} : memref<32xi32, #tpu.memory_space<vmem>>, vector<16xi32>,
        %get3A_474 = vector.shape_cast %get3A_473 : vector<16xi32> to vector<16xi32>
        %slice3A_475 = vector.extract_strided_slice %get3A_474 {offsets = [0], sizes = [1], strides = [1]} : vector<16xi32> to vector<1xi32>
        %squeeze3A_476 = vector.extract %slice3A_475[0] : i32 from vector<1xi32>
        %jit3A_477 = arith.constant 128 : i32
        %eq3A_478 = arith.constant 0 : i32
        %eq3A_479 = arith.cmpi eq, %jit3A_477, %eq3A_478 : i32
        %jit3A_480 = arith.constant 1 : i32
        %select_n3A_481 = arith.select %eq3A_479, %jit3A_480, %jit3A_477 : i32
        %rem3A_482 = arith.remsi %add3A_447, %select_n3A_481 : i32
        %ne3A_483 = arith.constant 0 : i32
        %ne3A_484 = arith.cmpi ne, %rem3A_482, %ne3A_483 : i32
        %lt3A_485 = arith.constant 0 : i32
        %lt3A_486 = arith.cmpi slt, %rem3A_482, %lt3A_485 : i32
        %lt3A_487 = arith.constant 0 : i32
        %lt3A_488 = arith.cmpi slt, %select_n3A_481, %lt3A_487 : i32
        %ne3A_489 = arith.xori %lt3A_486, %lt3A_488 : i1
        %and3A_490 = arith.andi %ne3A_489, %ne3A_484 : i1
        %add3A_491 = arith.addi %rem3A_482, %select_n3A_481 : i32
        %select_n3A_492 = arith.select %and3A_490, %add3A_491, %rem3A_482 : i32
        %mul3A_493 = arith.constant 16384 : i32
        %mul3A_494 = arith.muli %select_n3A_492, %mul3A_493 : i32
        %mul3A_495 = arith.constant 1024 : i32
        %mul3A_496 = arith.muli %squeeze3A_476, %mul3A_495 : i32
        %sub3A_497 = arith.subi %mul3A_496, %mul3A_494 : i32
        %jit3A_498 = arith.constant 0 : i32
        %jit3A_499 = arith.constant 16384 : i32
        %max3A_500 = arith.maxsi %jit3A_498, %sub3A_497 : i32
        %min3A_501 = arith.minsi %jit3A_499, %max3A_500 : i32
        %ge3A = arith.constant 4 : i32
        %ge3A_502 = arith.cmpi sge, %add3A_294, %ge3A : i32
        %convert_element_type3A_503 = arith.extui %ge3A_502 : i1 to i32
        %cond3A_504 = arith.constant 0 : i32
        %cond3A_505 = arith.cmpi ne, %convert_element_type3A_503, %cond3A_504 : i32
        scf.if %cond3A_505 {
          %mul3A_511 = arith.constant 16384 : i32
          %mul3A_512 = arith.muli %add3A, %mul3A_511 : i32
          %dma_wait3A_513 = tpu.memref_slice %arg4[%mul3A_512] : memref<33554432xf32, #tpu.memory_space<hbm>> -> memref<16384xf32, #tpu.memory_space<hbm>>
          %dma_wait3A_514 = tpu.memref_slice %arg4[%mul3A_512] : memref<33554432xf32, #tpu.memory_space<hbm>> -> memref<16384xf32, #tpu.memory_space<hbm>>
          tpu.wait_dma2 semaphore(%arg15 : memref<!tpu.dma_semaphore, #tpu.memory_space<semaphore_mem>>) src(%arg10 : memref<16384xf32, #tpu.memory_space<vmem>>) dst(%dma_wait3A_514 : memref<16384xf32, #tpu.memory_space<hbm>>)
        } else {
        }
        %gt3A_506 = arith.constant 0 : i32
        %gt3A_507 = arith.cmpi sgt, %min3A_501, %gt3A_506 : i32
        %convert_element_type3A_508 = arith.extui %gt3A_507 : i1 to i32
        %cond3A_509 = arith.constant 0 : i32
        %cond3A_510 = arith.cmpi ne, %convert_element_type3A_508, %cond3A_509 : i32
        scf.if %cond3A_510 {
          %mul3A_511 = arith.constant 16384 : i32
          %mul3A_512 = arith.muli %add3A_447, %mul3A_511 : i32
          %dma_start3A = tpu.memref_slice %arg2[%mul3A_512] : memref<33554432xf32, #tpu.memory_space<hbm>> -> memref<16384xf32, #tpu.memory_space<hbm>>
          %dma_start3A_513 = tpu.memref_slice %arg2[%mul3A_512] : memref<33554432xf32, #tpu.memory_space<hbm>> -> memref<16384xf32, #tpu.memory_space<hbm>>
          tpu.enqueue_dma source(%dma_start3A_513 : memref<16384xf32, #tpu.memory_space<hbm>>) target(%arg6 : memref<16384xf32, #tpu.memory_space<vmem>>) target_semaphore(%arg11 : memref<!tpu.dma_semaphore, #tpu.memory_space<semaphore_mem>>)
        } else {
        }
      } else {
      }
      %mul3A_300 = arith.constant 32 : i32
      %mul3A_301 = arith.muli %add3A_292, %mul3A_300 : i32
      %add3A_302 = arith.addi %mul3A_301, %add3A : i32
      %jit3A_303 = arith.constant 128 : i32
      %div3A_304 = arith.divsi %add3A_302, %jit3A_303 : i32
      %sign3A_305 = arith.constant 0 : i32
      %sign3A_306 = arith.cmpi sgt, %add3A_302, %sign3A_305 : i32
      %sign3A_307 = arith.extui %sign3A_306 : i1 to i32
      %sign3A_308 = arith.constant 0 : i32
      %sign3A_309 = arith.cmpi slt, %add3A_302, %sign3A_308 : i32
      %sign3A_310 = arith.extui %sign3A_309 : i1 to i32
      %sign3A_311 = arith.subi %sign3A_307, %sign3A_310 : i32
      %sign3A_312 = arith.constant 0 : i32
      %sign3A_313 = arith.cmpi sgt, %jit3A_303, %sign3A_312 : i32
      %sign3A_314 = arith.extui %sign3A_313 : i1 to i32
      %sign3A_315 = arith.constant 0 : i32
      %sign3A_316 = arith.cmpi slt, %jit3A_303, %sign3A_315 : i32
      %sign3A_317 = arith.extui %sign3A_316 : i1 to i32
      %sign3A_318 = arith.subi %sign3A_314, %sign3A_317 : i32
      %ne3A_319 = arith.cmpi ne, %sign3A_311, %sign3A_318 : i32
      %rem3A_320 = arith.remsi %add3A_302, %jit3A_303 : i32
      %ne3A_321 = arith.constant 0 : i32
      %ne3A_322 = arith.cmpi ne, %rem3A_320, %ne3A_321 : i32
      %and3A_323 = arith.andi %ne3A_319, %ne3A_322 : i1
      %sub3A_324 = arith.constant 1 : i32
      %sub3A_325 = arith.subi %div3A_304, %sub3A_324 : i32
      %select_n3A_326 = arith.select %and3A_323, %sub3A_325, %div3A_304 : i32
      %get3A_327 = arith.index_cast %select_n3A_326 : i32 to index
      %get3A_328 = tpu.vector_load %arg5[%get3A_327] {strides = array<i32>} : memref<32xi32, #tpu.memory_space<vmem>>, vector<16xi32>,
      %get3A_329 = vector.shape_cast %get3A_328 : vector<16xi32> to vector<16xi32>
      %slice3A_330 = vector.extract_strided_slice %get3A_329 {offsets = [0], sizes = [1], strides = [1]} : vector<16xi32> to vector<1xi32>
      %squeeze3A_331 = vector.extract %slice3A_330[0] : i32 from vector<1xi32>
      %jit3A_332 = arith.constant 128 : i32
      %eq3A_333 = arith.constant 0 : i32
      %eq3A_334 = arith.cmpi eq, %jit3A_332, %eq3A_333 : i32
      %jit3A_335 = arith.constant 1 : i32
      %select_n3A_336 = arith.select %eq3A_334, %jit3A_335, %jit3A_332 : i32
      %rem3A_337 = arith.remsi %add3A_302, %select_n3A_336 : i32
      %ne3A_338 = arith.constant 0 : i32
      %ne3A_339 = arith.cmpi ne, %rem3A_337, %ne3A_338 : i32
      %lt3A_340 = arith.constant 0 : i32
      %lt3A_341 = arith.cmpi slt, %rem3A_337, %lt3A_340 : i32
      %lt3A_342 = arith.constant 0 : i32
      %lt3A_343 = arith.cmpi slt, %select_n3A_336, %lt3A_342 : i32
      %ne3A_344 = arith.xori %lt3A_341, %lt3A_343 : i1
      %and3A_345 = arith.andi %ne3A_344, %ne3A_339 : i1
      %add3A_346 = arith.addi %rem3A_337, %select_n3A_336 : i32
      %select_n3A_347 = arith.select %and3A_345, %add3A_346, %rem3A_337 : i32
      %mul3A_348 = arith.constant 16384 : i32
      %mul3A_349 = arith.muli %select_n3A_347, %mul3A_348 : i32
      %mul3A_350 = arith.constant 1024 : i32
      %mul3A_351 = arith.muli %squeeze3A_331, %mul3A_350 : i32
      %sub3A_352 = arith.subi %mul3A_351, %mul3A_349 : i32
      %jit3A_353 = arith.constant 0 : i32
      %jit3A_354 = arith.constant 16384 : i32
      %max3A_355 = arith.maxsi %jit3A_353, %sub3A_352 : i32
      %min3A_356 = arith.minsi %jit3A_354, %max3A_355 : i32
      %gt3A_357 = arith.constant 0 : i32
      %gt3A_358 = arith.cmpi sgt, %min3A_356, %gt3A_357 : i32
      %convert_element_type3A_359 = arith.extui %gt3A_358 : i1 to i32
      %cond3A_360 = arith.constant 0 : i32
      %cond3A_361 = arith.cmpi ne, %convert_element_type3A_359, %cond3A_360 : i32
      scf.if %cond3A_361 {
        %mul3A_445 = arith.constant 16384 : i32
        %mul3A_446 = arith.muli %add3A_302, %mul3A_445 : i32
        %dma_wait3A_447 = tpu.memref_slice %arg2[%mul3A_446] : memref<33554432xf32, #tpu.memory_space<hbm>> -> memref<16384xf32, #tpu.memory_space<hbm>>
        %dma_wait3A_448 = tpu.memref_slice %arg2[%mul3A_446] : memref<33554432xf32, #tpu.memory_space<hbm>> -> memref<16384xf32, #tpu.memory_space<hbm>>
        tpu.wait_dma2 semaphore(%arg13 : memref<!tpu.dma_semaphore, #tpu.memory_space<semaphore_mem>>) src(%dma_wait3A_448 : memref<16384xf32, #tpu.memory_space<hbm>>) dst(%arg8 : memref<16384xf32, #tpu.memory_space<vmem>>)
        %lt3A_449 = arith.constant 16384 : i32
        %lt3A_450 = arith.cmpi slt, %min3A_356, %lt3A_449 : i32
        %convert_element_type3A_451 = arith.extui %lt3A_450 : i1 to i32
        %cond3A_452 = arith.constant 0 : i32
        %cond3A_453 = arith.cmpi ne, %convert_element_type3A_451, %cond3A_452 : i32
        scf.if %cond3A_453 {
          %jit3A_457 = arith.constant 16 : i32
          %div3A_458 = arith.divsi %min3A_356, %jit3A_457 : i32
          %sign3A_459 = arith.constant 0 : i32
          %sign3A_460 = arith.cmpi sgt, %min3A_356, %sign3A_459 : i32
          %sign3A_461 = arith.extui %sign3A_460 : i1 to i32
          %sign3A_462 = arith.constant 0 : i32
          %sign3A_463 = arith.cmpi slt, %min3A_356, %sign3A_462 : i32
          %sign3A_464 = arith.extui %sign3A_463 : i1 to i32
          %sign3A_465 = arith.subi %sign3A_461, %sign3A_464 : i32
          %sign3A_466 = arith.constant 0 : i32
          %sign3A_467 = arith.cmpi sgt, %jit3A_457, %sign3A_466 : i32
          %sign3A_468 = arith.extui %sign3A_467 : i1 to i32
          %sign3A_469 = arith.constant 0 : i32
          %sign3A_470 = arith.cmpi slt, %jit3A_457, %sign3A_469 : i32
          %sign3A_471 = arith.extui %sign3A_470 : i1 to i32
          %sign3A_472 = arith.subi %sign3A_468, %sign3A_471 : i32
          %ne3A_473 = arith.cmpi ne, %sign3A_465, %sign3A_472 : i32
          %rem3A_474 = arith.remsi %min3A_356, %jit3A_457 : i32
          %ne3A_475 = arith.constant 0 : i32
          %ne3A_476 = arith.cmpi ne, %rem3A_474, %ne3A_475 : i32
          %and3A_477 = arith.andi %ne3A_473, %ne3A_476 : i1
          %sub3A_478 = arith.constant 1 : i32
          %sub3A_479 = arith.subi %div3A_458, %sub3A_478 : i32
          %select_n3A_480 = arith.select %and3A_477, %sub3A_479, %div3A_458 : i32
          %while3A = arith.constant 0 : i32
          %while3A_481 = arith.constant 1024 : i32
          %while3A_482 = arith.subi %while3A_481, %select_n3A_480 : i32
          %while3A_483 = arith.addi %select_n3A_480, %while3A_482 : i32
          %while3A_484 = arith.constant 1 : i32
          %while3A_485 = arith.divsi %while3A_482, %while3A_484 : i32
          %while3A_486 = arith.muli %while3A_485, %while3A_484 : i32
          %while3A_487 = arith.addi %select_n3A_480, %while3A_486 : i32
          %while3A_488 = arith.constant 1 : i32
          scf.for %while3A_490 = %select_n3A_480 to %while3A_487 step %while3A_488  : i32 {
            %mul3A_491 = arith.constant 16 : i32
            %mul3A_492 = arith.muli %while3A_490, %mul3A_491 : i32
            %swap3A = arith.index_cast %mul3A_492 : i32 to index
            %swap3A_493 = tpu.vector_load %arg8[%swap3A] {strides = array<i32>} : memref<16384xf32, #tpu.memory_space<vmem>>, vector<16xf32>,
            %swap3A_494 = vector.shape_cast %swap3A_493 : vector<16xf32> to vector<16xf32>
            %swap3A_495 = vector.shape_cast %broadcast_in_dim3A_1 : vector<16xf32> to vector<16xf32>
            tpu.vector_store %arg8[%swap3A], %swap3A_495 {strides = array<i32>} : memref<16384xf32, #tpu.memory_space<vmem>>, vector<16xf32>,
          }
          %while3A_489 = arith.constant 1 : i32
          scf.for %while3A_490 = %while3A_487 to %while3A_483 step %while3A_489  : i32 {
            %mul3A_491 = arith.constant 16 : i32
            %mul3A_492 = arith.muli %while3A_490, %mul3A_491 : i32
            %swap3A = arith.index_cast %mul3A_492 : i32 to index
            %swap3A_493 = tpu.vector_load %arg8[%swap3A] {strides = array<i32>} : memref<16384xf32, #tpu.memory_space<vmem>>, vector<16xf32>,
            %swap3A_494 = vector.shape_cast %swap3A_493 : vector<16xf32> to vector<16xf32>
            %swap3A_495 = vector.shape_cast %broadcast_in_dim3A_1 : vector<16xf32> to vector<16xf32>
            tpu.vector_store %arg8[%swap3A], %swap3A_495 {strides = array<i32>} : memref<16384xf32, #tpu.memory_space<vmem>>, vector<16xf32>,
          }
        } else {
        }
        %mul3A_454 = arith.constant 16384 : i32
        %mul3A_455 = arith.muli %add3A_302, %mul3A_454 : i32
        %dma_start3A = tpu.memref_slice %arg4[%mul3A_455] : memref<33554432xf32, #tpu.memory_space<hbm>> -> memref<16384xf32, #tpu.memory_space<hbm>>
        %dma_start3A_456 = tpu.memref_slice %arg4[%mul3A_455] : memref<33554432xf32, #tpu.memory_space<hbm>> -> memref<16384xf32, #tpu.memory_space<hbm>>
        tpu.enqueue_dma source(%arg8 : memref<16384xf32, #tpu.memory_space<vmem>>) target(%dma_start3A_456 : memref<16384xf32, #tpu.memory_space<hbm>>) target_semaphore(%arg17 : memref<!tpu.dma_semaphore, #tpu.memory_space<semaphore_mem>>)
      } else {
      }
      %eq3A_362 = arith.constant 0 : i32
      %eq3A_363 = arith.cmpi eq, %min3A_356, %eq3A_362 : i32
      %convert_element_type3A_364 = arith.extui %eq3A_363 : i1 to i32
      %cond3A_365 = arith.constant 0 : i32
      %cond3A_366 = arith.cmpi ne, %convert_element_type3A_364, %cond3A_365 : i32
      scf.if %cond3A_366 {
        %mul3A_445 = arith.constant 16384 : i32
        %mul3A_446 = arith.muli %add3A_302, %mul3A_445 : i32
        %dma_start3A = tpu.memref_slice %arg4[%mul3A_446] : memref<33554432xf32, #tpu.memory_space<hbm>> -> memref<16384xf32, #tpu.memory_space<hbm>>
        %dma_start3A_447 = tpu.memref_slice %arg4[%mul3A_446] : memref<33554432xf32, #tpu.memory_space<hbm>> -> memref<16384xf32, #tpu.memory_space<hbm>>
        tpu.enqueue_dma source(%arg10 : memref<16384xf32, #tpu.memory_space<vmem>>) target(%dma_start3A_447 : memref<16384xf32, #tpu.memory_space<hbm>>) target_semaphore(%arg17 : memref<!tpu.dma_semaphore, #tpu.memory_space<semaphore_mem>>)
      } else {
      }
      %mul3A_367 = arith.constant 4 : i32
      %mul3A_368 = arith.muli %scan3A_132, %mul3A_367 : i32
      %add3A_369 = arith.constant 3 : i32
      %add3A_370 = arith.addi %mul3A_368, %add3A_369 : i32
      %add3A_371 = arith.constant 2 : i32
      %add3A_372 = arith.addi %add3A_370, %add3A_371 : i32
      %lt3A_373 = arith.constant 64 : i32
      %lt3A_374 = arith.cmpi slt, %add3A_372, %lt3A_373 : i32
      %convert_element_type3A_375 = arith.extui %lt3A_374 : i1 to i32
      %cond3A_376 = arith.constant 0 : i32
      %cond3A_377 = arith.cmpi ne, %convert_element_type3A_375, %cond3A_376 : i32
      scf.if %cond3A_377 {
        %mul3A_445 = arith.constant 32 : i32
        %mul3A_446 = arith.muli %add3A_372, %mul3A_445 : i32
        %add3A_447 = arith.addi %mul3A_446, %add3A : i32
        %jit3A_448 = arith.constant 128 : i32
        %div3A_449 = arith.divsi %add3A_447, %jit3A_448 : i32
        %sign3A_450 = arith.constant 0 : i32
        %sign3A_451 = arith.cmpi sgt, %add3A_447, %sign3A_450 : i32
        %sign3A_452 = arith.extui %sign3A_451 : i1 to i32
        %sign3A_453 = arith.constant 0 : i32
        %sign3A_454 = arith.cmpi slt, %add3A_447, %sign3A_453 : i32
        %sign3A_455 = arith.extui %sign3A_454 : i1 to i32
        %sign3A_456 = arith.subi %sign3A_452, %sign3A_455 : i32
        %sign3A_457 = arith.constant 0 : i32
        %sign3A_458 = arith.cmpi sgt, %jit3A_448, %sign3A_457 : i32
        %sign3A_459 = arith.extui %sign3A_458 : i1 to i32
        %sign3A_460 = arith.constant 0 : i32
        %sign3A_461 = arith.cmpi slt, %jit3A_448, %sign3A_460 : i32
        %sign3A_462 = arith.extui %sign3A_461 : i1 to i32
        %sign3A_463 = arith.subi %sign3A_459, %sign3A_462 : i32
        %ne3A_464 = arith.cmpi ne, %sign3A_456, %sign3A_463 : i32
        %rem3A_465 = arith.remsi %add3A_447, %jit3A_448 : i32
        %ne3A_466 = arith.constant 0 : i32
        %ne3A_467 = arith.cmpi ne, %rem3A_465, %ne3A_466 : i32
        %and3A_468 = arith.andi %ne3A_464, %ne3A_467 : i1
        %sub3A_469 = arith.constant 1 : i32
        %sub3A_470 = arith.subi %div3A_449, %sub3A_469 : i32
        %select_n3A_471 = arith.select %and3A_468, %sub3A_470, %div3A_449 : i32
        %get3A_472 = arith.index_cast %select_n3A_471 : i32 to index
        %get3A_473 = tpu.vector_load %arg5[%get3A_472] {strides = array<i32>} : memref<32xi32, #tpu.memory_space<vmem>>, vector<16xi32>,
        %get3A_474 = vector.shape_cast %get3A_473 : vector<16xi32> to vector<16xi32>
        %slice3A_475 = vector.extract_strided_slice %get3A_474 {offsets = [0], sizes = [1], strides = [1]} : vector<16xi32> to vector<1xi32>
        %squeeze3A_476 = vector.extract %slice3A_475[0] : i32 from vector<1xi32>
        %jit3A_477 = arith.constant 128 : i32
        %eq3A_478 = arith.constant 0 : i32
        %eq3A_479 = arith.cmpi eq, %jit3A_477, %eq3A_478 : i32
        %jit3A_480 = arith.constant 1 : i32
        %select_n3A_481 = arith.select %eq3A_479, %jit3A_480, %jit3A_477 : i32
        %rem3A_482 = arith.remsi %add3A_447, %select_n3A_481 : i32
        %ne3A_483 = arith.constant 0 : i32
        %ne3A_484 = arith.cmpi ne, %rem3A_482, %ne3A_483 : i32
        %lt3A_485 = arith.constant 0 : i32
        %lt3A_486 = arith.cmpi slt, %rem3A_482, %lt3A_485 : i32
        %lt3A_487 = arith.constant 0 : i32
        %lt3A_488 = arith.cmpi slt, %select_n3A_481, %lt3A_487 : i32
        %ne3A_489 = arith.xori %lt3A_486, %lt3A_488 : i1
        %and3A_490 = arith.andi %ne3A_489, %ne3A_484 : i1
        %add3A_491 = arith.addi %rem3A_482, %select_n3A_481 : i32
        %select_n3A_492 = arith.select %and3A_490, %add3A_491, %rem3A_482 : i32
        %mul3A_493 = arith.constant 16384 : i32
        %mul3A_494 = arith.muli %select_n3A_492, %mul3A_493 : i32
        %mul3A_495 = arith.constant 1024 : i32
        %mul3A_496 = arith.muli %squeeze3A_476, %mul3A_495 : i32
        %sub3A_497 = arith.subi %mul3A_496, %mul3A_494 : i32
        %jit3A_498 = arith.constant 0 : i32
        %jit3A_499 = arith.constant 16384 : i32
        %max3A_500 = arith.maxsi %jit3A_498, %sub3A_497 : i32
        %min3A_501 = arith.minsi %jit3A_499, %max3A_500 : i32
        %ge3A = arith.constant 4 : i32
        %ge3A_502 = arith.cmpi sge, %add3A_372, %ge3A : i32
        %convert_element_type3A_503 = arith.extui %ge3A_502 : i1 to i32
        %cond3A_504 = arith.constant 0 : i32
        %cond3A_505 = arith.cmpi ne, %convert_element_type3A_503, %cond3A_504 : i32
        scf.if %cond3A_505 {
          %mul3A_511 = arith.constant 16384 : i32
          %mul3A_512 = arith.muli %add3A, %mul3A_511 : i32
          %dma_wait3A_513 = tpu.memref_slice %arg4[%mul3A_512] : memref<33554432xf32, #tpu.memory_space<hbm>> -> memref<16384xf32, #tpu.memory_space<hbm>>
          %dma_wait3A_514 = tpu.memref_slice %arg4[%mul3A_512] : memref<33554432xf32, #tpu.memory_space<hbm>> -> memref<16384xf32, #tpu.memory_space<hbm>>
          tpu.wait_dma2 semaphore(%arg16 : memref<!tpu.dma_semaphore, #tpu.memory_space<semaphore_mem>>) src(%arg10 : memref<16384xf32, #tpu.memory_space<vmem>>) dst(%dma_wait3A_514 : memref<16384xf32, #tpu.memory_space<hbm>>)
        } else {
        }
        %gt3A_506 = arith.constant 0 : i32
        %gt3A_507 = arith.cmpi sgt, %min3A_501, %gt3A_506 : i32
        %convert_element_type3A_508 = arith.extui %gt3A_507 : i1 to i32
        %cond3A_509 = arith.constant 0 : i32
        %cond3A_510 = arith.cmpi ne, %convert_element_type3A_508, %cond3A_509 : i32
        scf.if %cond3A_510 {
          %mul3A_511 = arith.constant 16384 : i32
          %mul3A_512 = arith.muli %add3A_447, %mul3A_511 : i32
          %dma_start3A = tpu.memref_slice %arg2[%mul3A_512] : memref<33554432xf32, #tpu.memory_space<hbm>> -> memref<16384xf32, #tpu.memory_space<hbm>>
          %dma_start3A_513 = tpu.memref_slice %arg2[%mul3A_512] : memref<33554432xf32, #tpu.memory_space<hbm>> -> memref<16384xf32, #tpu.memory_space<hbm>>
          tpu.enqueue_dma source(%dma_start3A_513 : memref<16384xf32, #tpu.memory_space<hbm>>) target(%arg7 : memref<16384xf32, #tpu.memory_space<vmem>>) target_semaphore(%arg12 : memref<!tpu.dma_semaphore, #tpu.memory_space<semaphore_mem>>)
        } else {
        }
      } else {
      }
      %mul3A_378 = arith.constant 32 : i32
      %mul3A_379 = arith.muli %add3A_370, %mul3A_378 : i32
      %add3A_380 = arith.addi %mul3A_379, %add3A : i32
      %jit3A_381 = arith.constant 128 : i32
      %div3A_382 = arith.divsi %add3A_380, %jit3A_381 : i32
      %sign3A_383 = arith.constant 0 : i32
      %sign3A_384 = arith.cmpi sgt, %add3A_380, %sign3A_383 : i32
      %sign3A_385 = arith.extui %sign3A_384 : i1 to i32
      %sign3A_386 = arith.constant 0 : i32
      %sign3A_387 = arith.cmpi slt, %add3A_380, %sign3A_386 : i32
      %sign3A_388 = arith.extui %sign3A_387 : i1 to i32
      %sign3A_389 = arith.subi %sign3A_385, %sign3A_388 : i32
      %sign3A_390 = arith.constant 0 : i32
      %sign3A_391 = arith.cmpi sgt, %jit3A_381, %sign3A_390 : i32
      %sign3A_392 = arith.extui %sign3A_391 : i1 to i32
      %sign3A_393 = arith.constant 0 : i32
      %sign3A_394 = arith.cmpi slt, %jit3A_381, %sign3A_393 : i32
      %sign3A_395 = arith.extui %sign3A_394 : i1 to i32
      %sign3A_396 = arith.subi %sign3A_392, %sign3A_395 : i32
      %ne3A_397 = arith.cmpi ne, %sign3A_389, %sign3A_396 : i32
      %rem3A_398 = arith.remsi %add3A_380, %jit3A_381 : i32
      %ne3A_399 = arith.constant 0 : i32
      %ne3A_400 = arith.cmpi ne, %rem3A_398, %ne3A_399 : i32
      %and3A_401 = arith.andi %ne3A_397, %ne3A_400 : i1
      %sub3A_402 = arith.constant 1 : i32
      %sub3A_403 = arith.subi %div3A_382, %sub3A_402 : i32
      %select_n3A_404 = arith.select %and3A_401, %sub3A_403, %div3A_382 : i32
      %get3A_405 = arith.index_cast %select_n3A_404 : i32 to index
      %get3A_406 = tpu.vector_load %arg5[%get3A_405] {strides = array<i32>} : memref<32xi32, #tpu.memory_space<vmem>>, vector<16xi32>,
      %get3A_407 = vector.shape_cast %get3A_406 : vector<16xi32> to vector<16xi32>
      %slice3A_408 = vector.extract_strided_slice %get3A_407 {offsets = [0], sizes = [1], strides = [1]} : vector<16xi32> to vector<1xi32>
      %squeeze3A_409 = vector.extract %slice3A_408[0] : i32 from vector<1xi32>
      %jit3A_410 = arith.constant 128 : i32
      %eq3A_411 = arith.constant 0 : i32
      %eq3A_412 = arith.cmpi eq, %jit3A_410, %eq3A_411 : i32
      %jit3A_413 = arith.constant 1 : i32
      %select_n3A_414 = arith.select %eq3A_412, %jit3A_413, %jit3A_410 : i32
      %rem3A_415 = arith.remsi %add3A_380, %select_n3A_414 : i32
      %ne3A_416 = arith.constant 0 : i32
      %ne3A_417 = arith.cmpi ne, %rem3A_415, %ne3A_416 : i32
      %lt3A_418 = arith.constant 0 : i32
      %lt3A_419 = arith.cmpi slt, %rem3A_415, %lt3A_418 : i32
      %lt3A_420 = arith.constant 0 : i32
      %lt3A_421 = arith.cmpi slt, %select_n3A_414, %lt3A_420 : i32
      %ne3A_422 = arith.xori %lt3A_419, %lt3A_421 : i1
      %and3A_423 = arith.andi %ne3A_422, %ne3A_417 : i1
      %add3A_424 = arith.addi %rem3A_415, %select_n3A_414 : i32
      %select_n3A_425 = arith.select %and3A_423, %add3A_424, %rem3A_415 : i32
      %mul3A_426 = arith.constant 16384 : i32
      %mul3A_427 = arith.muli %select_n3A_425, %mul3A_426 : i32
      %mul3A_428 = arith.constant 1024 : i32
      %mul3A_429 = arith.muli %squeeze3A_409, %mul3A_428 : i32
      %sub3A_430 = arith.subi %mul3A_429, %mul3A_427 : i32
      %jit3A_431 = arith.constant 0 : i32
      %jit3A_432 = arith.constant 16384 : i32
      %max3A_433 = arith.maxsi %jit3A_431, %sub3A_430 : i32
      %min3A_434 = arith.minsi %jit3A_432, %max3A_433 : i32
      %gt3A_435 = arith.constant 0 : i32
      %gt3A_436 = arith.cmpi sgt, %min3A_434, %gt3A_435 : i32
      %convert_element_type3A_437 = arith.extui %gt3A_436 : i1 to i32
      %cond3A_438 = arith.constant 0 : i32
      %cond3A_439 = arith.cmpi ne, %convert_element_type3A_437, %cond3A_438 : i32
      scf.if %cond3A_439 {
        %mul3A_445 = arith.constant 16384 : i32
        %mul3A_446 = arith.muli %add3A_380, %mul3A_445 : i32
        %dma_wait3A_447 = tpu.memref_slice %arg2[%mul3A_446] : memref<33554432xf32, #tpu.memory_space<hbm>> -> memref<16384xf32, #tpu.memory_space<hbm>>
        %dma_wait3A_448 = tpu.memref_slice %arg2[%mul3A_446] : memref<33554432xf32, #tpu.memory_space<hbm>> -> memref<16384xf32, #tpu.memory_space<hbm>>
        tpu.wait_dma2 semaphore(%arg14 : memref<!tpu.dma_semaphore, #tpu.memory_space<semaphore_mem>>) src(%dma_wait3A_448 : memref<16384xf32, #tpu.memory_space<hbm>>) dst(%arg9 : memref<16384xf32, #tpu.memory_space<vmem>>)
        %lt3A_449 = arith.constant 16384 : i32
        %lt3A_450 = arith.cmpi slt, %min3A_434, %lt3A_449 : i32
        %convert_element_type3A_451 = arith.extui %lt3A_450 : i1 to i32
        %cond3A_452 = arith.constant 0 : i32
        %cond3A_453 = arith.cmpi ne, %convert_element_type3A_451, %cond3A_452 : i32
        scf.if %cond3A_453 {
          %jit3A_457 = arith.constant 16 : i32
          %div3A_458 = arith.divsi %min3A_434, %jit3A_457 : i32
          %sign3A_459 = arith.constant 0 : i32
          %sign3A_460 = arith.cmpi sgt, %min3A_434, %sign3A_459 : i32
          %sign3A_461 = arith.extui %sign3A_460 : i1 to i32
          %sign3A_462 = arith.constant 0 : i32
          %sign3A_463 = arith.cmpi slt, %min3A_434, %sign3A_462 : i32
          %sign3A_464 = arith.extui %sign3A_463 : i1 to i32
          %sign3A_465 = arith.subi %sign3A_461, %sign3A_464 : i32
          %sign3A_466 = arith.constant 0 : i32
          %sign3A_467 = arith.cmpi sgt, %jit3A_457, %sign3A_466 : i32
          %sign3A_468 = arith.extui %sign3A_467 : i1 to i32
          %sign3A_469 = arith.constant 0 : i32
          %sign3A_470 = arith.cmpi slt, %jit3A_457, %sign3A_469 : i32
          %sign3A_471 = arith.extui %sign3A_470 : i1 to i32
          %sign3A_472 = arith.subi %sign3A_468, %sign3A_471 : i32
          %ne3A_473 = arith.cmpi ne, %sign3A_465, %sign3A_472 : i32
          %rem3A_474 = arith.remsi %min3A_434, %jit3A_457 : i32
          %ne3A_475 = arith.constant 0 : i32
          %ne3A_476 = arith.cmpi ne, %rem3A_474, %ne3A_475 : i32
          %and3A_477 = arith.andi %ne3A_473, %ne3A_476 : i1
          %sub3A_478 = arith.constant 1 : i32
          %sub3A_479 = arith.subi %div3A_458, %sub3A_478 : i32
          %select_n3A_480 = arith.select %and3A_477, %sub3A_479, %div3A_458 : i32
          %while3A = arith.constant 0 : i32
          %while3A_481 = arith.constant 1024 : i32
          %while3A_482 = arith.subi %while3A_481, %select_n3A_480 : i32
          %while3A_483 = arith.addi %select_n3A_480, %while3A_482 : i32
          %while3A_484 = arith.constant 1 : i32
          %while3A_485 = arith.divsi %while3A_482, %while3A_484 : i32
          %while3A_486 = arith.muli %while3A_485, %while3A_484 : i32
          %while3A_487 = arith.addi %select_n3A_480, %while3A_486 : i32
          %while3A_488 = arith.constant 1 : i32
          scf.for %while3A_490 = %select_n3A_480 to %while3A_487 step %while3A_488  : i32 {
            %mul3A_491 = arith.constant 16 : i32
            %mul3A_492 = arith.muli %while3A_490, %mul3A_491 : i32
            %swap3A = arith.index_cast %mul3A_492 : i32 to index
            %swap3A_493 = tpu.vector_load %arg9[%swap3A] {strides = array<i32>} : memref<16384xf32, #tpu.memory_space<vmem>>, vector<16xf32>,
            %swap3A_494 = vector.shape_cast %swap3A_493 : vector<16xf32> to vector<16xf32>
            %swap3A_495 = vector.shape_cast %broadcast_in_dim3A_1 : vector<16xf32> to vector<16xf32>
            tpu.vector_store %arg9[%swap3A], %swap3A_495 {strides = array<i32>} : memref<16384xf32, #tpu.memory_space<vmem>>, vector<16xf32>,
          }
          %while3A_489 = arith.constant 1 : i32
          scf.for %while3A_490 = %while3A_487 to %while3A_483 step %while3A_489  : i32 {
            %mul3A_491 = arith.constant 16 : i32
            %mul3A_492 = arith.muli %while3A_490, %mul3A_491 : i32
            %swap3A = arith.index_cast %mul3A_492 : i32 to index
            %swap3A_493 = tpu.vector_load %arg9[%swap3A] {strides = array<i32>} : memref<16384xf32, #tpu.memory_space<vmem>>, vector<16xf32>,
            %swap3A_494 = vector.shape_cast %swap3A_493 : vector<16xf32> to vector<16xf32>
            %swap3A_495 = vector.shape_cast %broadcast_in_dim3A_1 : vector<16xf32> to vector<16xf32>
            tpu.vector_store %arg9[%swap3A], %swap3A_495 {strides = array<i32>} : memref<16384xf32, #tpu.memory_space<vmem>>, vector<16xf32>,
          }
        } else {
        }
        %mul3A_454 = arith.constant 16384 : i32
        %mul3A_455 = arith.muli %add3A_380, %mul3A_454 : i32
        %dma_start3A = tpu.memref_slice %arg4[%mul3A_455] : memref<33554432xf32, #tpu.memory_space<hbm>> -> memref<16384xf32, #tpu.memory_space<hbm>>
        %dma_start3A_456 = tpu.memref_slice %arg4[%mul3A_455] : memref<33554432xf32, #tpu.memory_space<hbm>> -> memref<16384xf32, #tpu.memory_space<hbm>>
        tpu.enqueue_dma source(%arg9 : memref<16384xf32, #tpu.memory_space<vmem>>) target(%dma_start3A_456 : memref<16384xf32, #tpu.memory_space<hbm>>) target_semaphore(%arg18 : memref<!tpu.dma_semaphore, #tpu.memory_space<semaphore_mem>>)
      } else {
      }
      %eq3A_440 = arith.constant 0 : i32
      %eq3A_441 = arith.cmpi eq, %min3A_434, %eq3A_440 : i32
      %convert_element_type3A_442 = arith.extui %eq3A_441 : i1 to i32
      %cond3A_443 = arith.constant 0 : i32
      %cond3A_444 = arith.cmpi ne, %convert_element_type3A_442, %cond3A_443 : i32
      scf.if %cond3A_444 {
        %mul3A_445 = arith.constant 16384 : i32
        %mul3A_446 = arith.muli %add3A_380, %mul3A_445 : i32
        %dma_start3A = tpu.memref_slice %arg4[%mul3A_446] : memref<33554432xf32, #tpu.memory_space<hbm>> -> memref<16384xf32, #tpu.memory_space<hbm>>
        %dma_start3A_447 = tpu.memref_slice %arg4[%mul3A_446] : memref<33554432xf32, #tpu.memory_space<hbm>> -> memref<16384xf32, #tpu.memory_space<hbm>>
        tpu.enqueue_dma source(%arg10 : memref<16384xf32, #tpu.memory_space<vmem>>) target(%dma_start3A_447 : memref<16384xf32, #tpu.memory_space<hbm>>) target_semaphore(%arg18 : memref<!tpu.dma_semaphore, #tpu.memory_space<semaphore_mem>>)
      } else {
      }
    }
    %scan3A_116 = arith.constant 16 : i32
    %mul3A_117 = arith.constant 16384 : i32
    %mul3A_118 = arith.muli %add3A, %mul3A_117 : i32
    %dma_wait3A = tpu.memref_slice %arg4[%mul3A_118] : memref<33554432xf32, #tpu.memory_space<hbm>> -> memref<16384xf32, #tpu.memory_space<hbm>>
    %dma_wait3A_119 = tpu.memref_slice %arg4[%mul3A_118] : memref<33554432xf32, #tpu.memory_space<hbm>> -> memref<16384xf32, #tpu.memory_space<hbm>>
    tpu.wait_dma2 semaphore(%arg15 : memref<!tpu.dma_semaphore, #tpu.memory_space<semaphore_mem>>) src(%arg10 : memref<16384xf32, #tpu.memory_space<vmem>>) dst(%dma_wait3A_119 : memref<16384xf32, #tpu.memory_space<hbm>>)
    %mul3A_120 = arith.constant 16384 : i32
    %mul3A_121 = arith.muli %add3A, %mul3A_120 : i32
    %dma_wait3A_122 = tpu.memref_slice %arg4[%mul3A_121] : memref<33554432xf32, #tpu.memory_space<hbm>> -> memref<16384xf32, #tpu.memory_space<hbm>>
    %dma_wait3A_123 = tpu.memref_slice %arg4[%mul3A_121] : memref<33554432xf32, #tpu.memory_space<hbm>> -> memref<16384xf32, #tpu.memory_space<hbm>>
    tpu.wait_dma2 semaphore(%arg16 : memref<!tpu.dma_semaphore, #tpu.memory_space<semaphore_mem>>) src(%arg10 : memref<16384xf32, #tpu.memory_space<vmem>>) dst(%dma_wait3A_123 : memref<16384xf32, #tpu.memory_space<hbm>>)
    %mul3A_124 = arith.constant 16384 : i32
    %mul3A_125 = arith.muli %add3A, %mul3A_124 : i32
    %dma_wait3A_126 = tpu.memref_slice %arg4[%mul3A_125] : memref<33554432xf32, #tpu.memory_space<hbm>> -> memref<16384xf32, #tpu.memory_space<hbm>>
    %dma_wait3A_127 = tpu.memref_slice %arg4[%mul3A_125] : memref<33554432xf32, #tpu.memory_space<hbm>> -> memref<16384xf32, #tpu.memory_space<hbm>>
    tpu.wait_dma2 semaphore(%arg17 : memref<!tpu.dma_semaphore, #tpu.memory_space<semaphore_mem>>) src(%arg10 : memref<16384xf32, #tpu.memory_space<vmem>>) dst(%dma_wait3A_127 : memref<16384xf32, #tpu.memory_space<hbm>>)
    %mul3A_128 = arith.constant 16384 : i32
    %mul3A_129 = arith.muli %add3A, %mul3A_128 : i32
    %dma_wait3A_130 = tpu.memref_slice %arg4[%mul3A_129] : memref<33554432xf32, #tpu.memory_space<hbm>> -> memref<16384xf32, #tpu.memory_space<hbm>>
    %dma_wait3A_131 = tpu.memref_slice %arg4[%mul3A_129] : memref<33554432xf32, #tpu.memory_space<hbm>> -> memref<16384xf32, #tpu.memory_space<hbm>>
    tpu.wait_dma2 semaphore(%arg18 : memref<!tpu.dma_semaphore, #tpu.memory_space<semaphore_mem>>) src(%arg10 : memref<16384xf32, #tpu.memory_space<vmem>>) dst(%dma_wait3A_131 : memref<16384xf32, #tpu.memory_space<hbm>>)
    return
  }
}

</mosaic_0001>

<sc_bundles>
// kernel: kernel.3.cloned.1.call-start
scs
__scs_entry_jumppad:
0x0: {  	(pc) =	sbr.rel $0x88, $3  }
0x1: {  	(tag) =	ssettag $0x0;
	lr =	simm.s32 $0x1  }
0x2: {  	[smem:$0x3F9F] =	sst lr;
	_ =	strace $0xD0000000  }
0x3: {  	_ = 	snop  }
0x4: {  	_ = 	snop  }
0x5: {  	_ = 	snop  }
0x6: {  	_ = 	snop  }
0x7: {  	_ = 	snop  }
__scs_overlays_trampoline_lowered:
0x8: {  	[smem:$0x3FAE] =	sst s0  }
0x9: {  	[smem:$0x3FAF] =	sst s1  }
0xa: {  	[smem:$0x3FB0] =	sst s2  }
0xb: {  	[smem:$0x3FB1] =	sst s3  }
0xc: {  	[smem:$0x3FB2] =	sst s4  }
0xd: {  	[smem:$0x3FB3] =	sst s5  }
0xe: {  	[smem:$0x3FB4] =	sst s6  }
0xf: {  	[smem:$0x3FB5] =	sst s7  }
0x10: {  	[smem:$0x3FB6] =	sst s8  }
0x11: {  	[smem:$0x3FB7] =	sst s9;
	s0 =	simm.s32 @!p0 $0x0  }
0x12: {  	s1 =	sld [smem:$0x3F9D];
	s0 =	simm.s32 @p0 $0x1  }
0x13: {  	[smem:$0x3FB8] =	sst s0;
	s0 =	simm.s32 @!p1 $0x0  }
0x14: {  	s2 =	sld [smem:$0x3F9C];
	s0 =	simm.s32 @p1 $0x1  }
0x15: {  	[smem:$0x3FB9] =	sst s0;
	s0 =	simm.s32 @!p2 $0x0  }
0x16: {  	s3 =	sld [smem:$0x3FDB];
	s0 =	simm.s32 @p2 $0x1  }
0x17: {  	s4 =	simm.s32 $0x1BF5;
	[smem:$0x3FBB] =	sst s0  }
0x18: {  	s0 =	sld [smem:$0x3F9E];
	_ =	swait.ge [sflag:s4], $0x0  }
0x19: {  	s7 =	sld [smem:$0x3F9F]  }
0x1a: {  	s8 =	sadd.s32 $0xFFFFE003, lr  }
0x1b: {  	s9 =	sadd.s32 $0xFFFFFEF7, lr;
	s5 =	simm.s32 $0xFFFFFFFF;
	p2 =	slt.u32 s8, $0xFFFFF086  }
0x1c: {  	p1 =	slt.u32 s9, $0xF7A;
	s5 =	simm.s32 @!p2 $0x0  }
0x1d: {  	s5 =	simm.s32 @p1 $0x1;
	p0 =	seq.s32 s7, s2  }
0x1e: {  	s7 =	smul.u32 @!p0 $0xF7A, s2;
	p2 =	seq.s32 @!p0 s5, $0x0  }
0x1f: {  	s9 =	smul.u32 $0xF7A, s1;
	s8 =	simm.s32 @!p0 $0x1BF5;
	p2 =	por !p2, p0  }
0x20: {  	[sflag:s8] =	ssyncset.s32 @!p0 $0xFFFFF086;
	s6 =	sadd.s32 @!p0 s3, s7;
	s7 =	simm.s32 @!p0 $0x108  }
0x21: {  	s3 =	sadd.s32 s3, s9;
	s6 =	sadd.s32 @!p0 $0x88, s6;
	s7 =	simm.s32 @p2 $0x1082  }
0x22: {  	[simem:s7], [sflag:s8] =	dma.local @!p0 [hbm:s6], $0xF7A  }
0x23: {  	s9 =	sor.u32 $0xD0000000, s2;
	s6 =	simm.s32 $0x108;
	_ =	swait.ge @!p0 [sflag:s8], $0x0  }
0x24: {  	s3 =	sadd.s32 $0x88, s3;
	s6 =	simm.s32 @!p1 $0x1082;
	[sflag:s4] =	ssyncset.s32 $0xFFFFF086  }
0x25: {  	[simem:s6], [sflag:s4] =	dma.local [hbm:s3], $0xF7A  }
0x26: {  	[smem:$0x3F9F] =	sst s1;
	(tag) =	ssettag s2;
	_ =	strace s9  }
0x27: {  	s1 =	sld [smem:$0x3FAF]  }
0x28: {  	s2 =	sld [smem:$0x3FB0]  }
0x29: {  	s4 =	sld [smem:$0x3FB2]  }
0x2a: {  	p0 =	seq.s32 s5, $0x0;
	s5 =	sld [smem:$0x3FB3]  }
0x2b: {  	s6 =	sld [smem:$0x3FB4]  }
0x2c: {  	s7 =	sld [smem:$0x3FB5]  }
0x2d: {  	s3 =	simm.s32 $0x108;
	s8 =	sld [smem:$0x3FB6]  }
0x2e: {  	s3 =	simm.s32 @!p0 $0x1082;
	s9 =	sld [smem:$0x3FB7]  }
0x2f: {  	lr =	sadd.s32 s0, s3;
	s0 =	sld [smem:$0x3FAE]  }
0x30: {  	s3 =	sld [smem:$0x3FB1]  }
0x31: {  	[smem:$0x3FBA] =	sst s10  }
0x32: {  	s10 =	sld [smem:$0x3FB8];
	_ =	sdelay $0x3  }
0x33: {  	p0 =	seq.s32 s10, $0x1;
	s10 =	sld [smem:$0x3FBA];
	_ =	sdelay $0x3  }
0x34: {  	[smem:$0x3FBA] =	sst s10  }
0x35: {  	s10 =	sld [smem:$0x3FB9];
	_ =	sdelay $0x3  }
0x36: {  	p1 =	seq.s32 s10, $0x1;
	s10 =	sld [smem:$0x3FBA];
	_ =	sdelay $0x3  }
0x37: {  	[smem:$0x3FBA] =	sst s10  }
0x38: {  	s10 =	sld [smem:$0x3FBB]  }
0x39: {  	_ = 	snop;
	(pc) =	sbr.ind lr, $3  }
0x3a: {  	_ = 	snop  }
0x3b: {  	_ = 	snop  }
0x3c: {  	p2 =	seq.s32 s10, $0x1;
	s10 =	sld [smem:$0x3FBA]  }
0x3d: {  	_ =	shalt  }
0x3e: {  	_ =	shalt  }
0x3f: {  	_ =	shalt  }
0x40: {  	_ =	shalt  }
0x41: {  	_ =	shalt  }
0x42: {  	_ =	shalt  }
0x43: {  	_ =	shalt  }
0x44: {  	_ =	shalt  }
0x45: {  	_ =	shalt  }
0x46: {  	_ =	shalt  }
0x47: {  	_ =	shalt  }
0x48: {  	_ =	shalt  }
0x49: {  	_ =	shalt  }
0x4a: {  	_ =	shalt  }
0x4b: {  	_ =	shalt  }
0x4c: {  	_ =	shalt  }
0x4d: {  	_ =	shalt  }
0x4e: {  	_ =	shalt  }
0x4f: {  	_ =	shalt  }
0x50: {  	_ =	shalt  }
0x51: {  	_ =	shalt  }
0x52: {  	_ =	shalt  }
0x53: {  	_ =	shalt  }
0x54: {  	_ =	shalt  }
0x55: {  	_ =	shalt  }
0x56: {  	_ =	shalt  }
0x57: {  	_ =	shalt  }
0x58: {  	_ =	shalt  }
0x59: {  	_ =	shalt  }
0x5a: {  	_ =	shalt  }
0x5b: {  	_ =	shalt  }
0x5c: {  	_ =	shalt  }
0x5d: {  	_ =	shalt  }
0x5e: {  	_ =	shalt  }
0x5f: {  	_ =	shalt  }
0x60: {  	_ =	shalt  }
0x61: {  	_ =	shalt  }
0x62: {  	_ =	shalt  }
0x63: {  	_ =	shalt  }
0x64: {  	_ =	shalt  }
0x65: {  	_ =	shalt  }
0x66: {  	_ =	shalt  }
0x67: {  	_ =	shalt  }
0x68: {  	_ =	shalt  }
0x69: {  	_ =	shalt  }
0x6a: {  	_ =	shalt  }
0x6b: {  	_ =	shalt  }
0x6c: {  	_ =	shalt  }
0x6d: {  	_ =	shalt  }
0x6e: {  	_ =	shalt  }
0x6f: {  	_ =	shalt  }
0x70: {  	_ =	shalt  }
0x71: {  	_ =	shalt  }
0x72: {  	_ =	shalt  }
0x73: {  	_ =	shalt  }
0x74: {  	_ =	shalt  }
0x75: {  	_ =	shalt  }
0x76: {  	_ =	shalt  }
0x77: {  	_ =	shalt  }
0x78: {  	_ =	shalt  }
0x79: {  	_ =	shalt  }
0x7a: {  	_ =	shalt  }
0x7b: {  	_ =	shalt  }
0x7c: {  	_ =	shalt  }
0x7d: {  	_ =	shalt  }
0x7e: {  	_ =	shalt  }
0x7f: {  	_ =	shalt  }
0x80: {  	_ =	shalt  }
0x81: {  	_ =	shalt  }
0x82: {  	_ =	shalt  }
0x83: {  	_ =	shalt  }
0x84: {  	_ =	shalt  }
0x85: {  	_ =	shalt  }
0x86: {  	_ =	shalt  }
0x87: {  	_ =	shalt  }
.Lfunc_end0:
.L_simem_size_0:
called_computation.1_lowered:
.L_overlay_start_0:
0x88: {  	s2 =	sld [smem:$0x3FD9]  }
0x89: {  	s3 =	sld [smem:$0x3FFE];
	_ =	sdelay $0x1  }
0x8a: {  	s1 =	srdreg.scid  }
0x8b: {  	s0 =	sand.u32 $0x1, s1  }
0x8c: {  	s17 =	sshll.u32 s0, $0xA;
	s2 =	sadd.s32 s3, s2  }
0x8d: {  	s2 =	sadd.s32 s2, s17  }
0x8e: {  	[smem:$0x3FC6] =	sst s2  }
0x8f: {  	_ = 	snop  }
0x90: {  	s2 =	sld [smem:$0x3FC8]  }
0x91: {  	s18 =	sld [smem:$0x3FD0];
	(tm) =	ssettm $0x1  }
0x92: {  	s4 =	sld [smem:$0x3FFB];
	_ =	sdelay $0x3  }
0x93: {  	_ =	strace s4  }
0x94: {  	s4 =	sld [smem:$0x3FFC];
	_ =	sdelay $0x3  }
0x95: {  	_ =	strace s4  }
0x96: {  	s4 =	sld [smem:$0x3FFD];
	_ =	sdelay $0x3  }
0x97: {  	_ =	strace s4  }
0x98: {  	_ =	strace $0x8FFFFFFF  }
0x99: {  	s19 =	sld [smem:$0x3FDB];
	_ =	sdelay $0x1  }
0x9a: {  	s5 =	simm.s32 $_scs_section_size  }
0x9b: {  	s6 =	simm.s32 $_size__tile_overlayer_lowered;
	s7 =	simm.s32 $_tile_overlayer_lowered  }
0x9c: {  	s22 =	simm.s32 $0x1BFF;
	s21 =	sshll.u32 s7, $0x1;
	s4 =	sadd.s32 s5, s19  }
0x9d: {  	s8 =	simm.s32 $0x0;
	s20 =	sshll.u32 s6, $0x1;
	s6 =	sadd.s32 s21, s4  }
0x9e: {  	[timem:s8], [sflag:s22] =	dma.local [hbm:s6], s20  }
0x9f: {  	_ =	swait.ge [sflag:s22], s20  }
0xa0: {  	s5 =	ssub.s32 $0x0, s20;
	[sflag:s22] =	ssyncset.done $0x0  }
0xa1: {  	[sflag:s22] =	ssyncadd.s32 s5;
	_ =	sdelay $0x1  }
0xa2: {  	s23 =	simm.s32 $0x1B8B  }
0xa3: {  	_ =	swait.ge [sflag:s23], $0x1  }
0xa4: {  	[sflag:s23] =	ssyncset.done $0x0  }
0xa5: {  	s25 =	simm.s32 $0x1B8E;
	s24 =	sld [smem:$0x3FFE];
	[sflag:s23] =	ssyncadd.s32 $0xFFFFFFFF  }
0xa6: {  	s26 =	simm.s32 $execute0_lowered;
	[smem:$0x3FD2] =	sst s25  }
0xa7: {  	s6 =	sshll.u32 s26, $0x1;
	_ =	strace $0x80000049;
	[dreg:$0x1] =	wrdreg $0xFFFFFFFF  }
0xa8: {  	s28 =	simm.s32 $_size_execute0_lowered;
	s4 =	sadd.s32 s4, s6;
	[dreg:$0x0] =	wrdreg $0x0  }
0xa9: {  	s6 =	sshll.u32 s28, $0x1;
	[dreg:$0x2] =	wrdreg s4  }
0xaa: {  	[dreg:$0x3] =	wrdreg s6  }
0xab: {  	[dreg:$0x4] =	wrdreg $0xC0  }
0xac: {  	_ =	task [dreg:s8], $0x5FFFF  }
0xad: {  	[dreg:$0x1] =	wrdreg $0xFFFFFFFF  }
0xae: {  	[dreg:$0x0] =	wrdreg $0x60  }
0xaf: {  	[dreg:$0x2] =	wrdreg s18  }
0xb0: {  	[dreg:$0x3] =	wrdreg s2  }
0xb1: {  	[dreg:$0x4] =	wrdreg s24  }
0xb2: {  	[dreg:$0x5] =	wrdreg $0x9  }
0xb3: {  	_ =	task.clear_ibuf [dreg:s8], $0x6FFFF;
	_ =	strace $0x90000049  }
0xb4: {  	s29 =	simm.s32 $0x9;
	_ =	strace $0x8000004B  }
0xb5: {  	_ =	swait.ge [sflag:s29], $0x1  }
0xb6: {  	[sflag:s29] =	ssyncadd.s32 $0xFFFFFFFF  }
0xb7: {  	_ =	strace $0x9000004B  }
0xb8: {  	_ =	sfence  }
0xb9: {  	s30 =	sld [smem:$0x0];
	_ =	sdelay $0x2  }
0xba: {  	s31 =	sshll.u32 s1, $0xD;
	s1 =	sshrl.u32 s1, $0x2  }
0xbb: {  	s3 =	sand.u32 $0x4000, s31;
	s1 =	sadd.s32 s1, s30  }
0xbc: {  	s0 =	sor.u32 s3, s0;
	s1 =	sshll.u32 s1, $0x11  }
0xbd: {  	s0 =	sor.u32 s1, s0  }
0xbe: {  	s0 =	sadd.s32 $0x8F2B, s0  }
0xbf: {  	[sflag:s0] =	ssyncadd.remote.s32 $0x1  }
0xc0: {  	_ =	sfence.sel $0xFFFF  }
0xc1: {  	[dreg:$0x0] =	wrdreg $0xFFFFFFFF;
	(pc) =	sbr.abs _section_cstart, $3  }
0xc2: {  	[dreg:$0x1] =	wrdreg $0xFFFFFFFF  }
0xc3: {  	_ =	task.clear_ibuf [dreg:s8], $0x2FFFF;
	_ =	strace $0x9FFFFFFF  }
0xc4: {  	(tm) =	ssettm $0x7FFFFFFF  }
0xc5: {  	_ =	shalt  }
tec
execute0_lowered:
.L_overlay_start_1:
0x0: {  	(tag) =	ssettag $0x1  }
0x1: {  	s1 =	rddreg [dreg:$0x0]  }
0x2: {  	s0 =	rddreg [dreg:$0x2];
	s3 =	srdreg.scid;
	s4 =	simm.s32 $0x0  }
0x3: {  	s2 =	stileid.u32;
	s18 =	simm.s32 $0x9;
	s20 =	simm.s32 $0x5  }
0x4: {  	s21 =	simm.s32 $0x6;
	s22 =	simm.s32 $0x7;
	s3 =	sand.u32 $0x1, s3  }
0x5: {  	[smem:$0x7FF] =	sst s4;
	s5 =	sshll.u32 s2, $0x1;
	s6 =	sadd.s32 $0x800, s0  }
0x6: {  	s14 =	sshll.u32 s2, $0x11;
	s7 =	ssub.s32 $0x2, s3;
	_ =	strace $0x8000004A  }
0x7: {  	s5 =	sor.u32 s3, s5;
	s3 =	sshll.u32 s3, $0x10;
	s8 =	sshrl.u32 s7, $0x1  }
0x8: {  	s9 =	sor.u32 $0x20, s5;
	s24 =	sshll.u32 s5, $0xB;
	s11 =	sor.u32 $0x40, s5  }
0x9: {  	s12 =	sor.u32 $0x60, s5;
	s3 =	sor.u32 s14, s3;
	p0 =	sne.s32 s5, $0x0  }
0xa: {  	s23 =	ssub.s32 s7, s8;
	s7 =	sshll.u32 s5, $0xE;
	s10 =	sshll.u32 s9, $0xB  }
0xb: {  	s8 =	sadd.s32 s1, s24;
	s9 =	sshll.u32 s9, $0xE;
	s25 =	ssub.s32 $0xFFE00000, s3  }
0xc: {  	s26 =	sshll.u32 s11, $0x10;
	s16 =	sshll.u32 s12, $0x10;
	s31 =	sshll.u32 s11, $0xE  }
.Ltmp0:
0xd: {  	s24 =	simm.s32 $0x0;
	s10 =	sadd.s32 s1, s10;
	(pc) =	sbr.rel .LBB2_1-.Ltmp0, $4  }
0xe: {  	s13 =	sor.u32 $0x80000, s7;
	s14 =	smax.u32 s23, $0x1;
	s0 =	sshra.s32 s25, $0x2  }
0xf: {  	s3 =	ssub.s32 $0x0, s26;
	s29 =	ssub.s32 $0x0, s16;
	s19 =	sand.u32 $0x17C000, s31  }
0x10: {  	s23 =	simm.s32 $0x8;
	s28 =	sshra.s32 s3, $0x2;
	s30 =	sshra.s32 s29, $0x2  }
0x11: {  	v0 =	vimm.f32 $0.0e+00;
	s15 =	sadd.s32 $0x4080, s0;
	s16 =	sadd.s32 $0x8080, s28;
	s17 =	sadd.s32 $0xC080, s30  }
.LBB2_25:
0x12: {  	_ =	swait.ge [sflag:s20], $0x4000  }
0x13: {  	[sflag:s20] =	ssyncset.done $0x0  }
0x14: {  	[sflag:s20] =	ssyncadd.s32 $0xFFFFC000  }
0x15: {  	_ =	swait.ge [sflag:s21], $0x4000  }
0x16: {  	[sflag:s21] =	ssyncset.done $0x0  }
0x17: {  	s24 =	sadd.s32 $0x1, s24;
	[sflag:s21] =	ssyncadd.s32 $0xFFFFC000  }
0x18: {  	p1 =	sne.s32 s24, s14;
	_ =	swait.ge [sflag:s22], $0x4000  }
.Ltmp1:
0x19: {  	[sflag:s22] =	ssyncset.done $0x0;
	(pc) =	sbr.rel @!p1 .LBB2_26-.Ltmp1, $4  }
0x1a: {  	[sflag:s22] =	ssyncadd.s32 $0xFFFFC000  }
0x1b: {  	_ =	swait.ge [sflag:s23], $0x4000  }
0x1c: {  	[sflag:s23] =	ssyncset.done $0x0  }
0x1d: {  	[sflag:s23] =	ssyncadd.s32 $0xFFFFC000  }
.LBB2_1:
0x1e: {  	s0 =	rddreg [dreg:$0x1]  }
0x1f: {  	[tilespmem:s4], [sflag:$0x9] =	stream.linear.gather [hbm4b:s0+s4], $0x10, $0x38;
	[tilespmem:$0x14080] =	vst v63  }
0x20: {  	_ =	swait.ge [sflag:s18], $0x10  }
0x21: {  	[sflag:s18] =	ssyncset.done $0x0  }
0x22: {  	s25 =	simm.s32 $0x40;
	s0 =	simm.s32 $0x0;
	[sflag:s18] =	ssyncadd.s32 $0xFFFFFFF0  }
.LBB2_2:
0x23: {  	p1 =	sne.s32 s25, $0xFFC0;
	[tilespmem:s0+$0x10080] =	vst v0;
	s0 =	smov.u32 s25;
	s25 =	sadd.s32 $0x40, s25  }
.Ltmp2:
0x24: {  	(pc) =	sbr.rel @p1 .LBB2_2-.Ltmp2, $2  }
0x25: {  	_ =	sdelay $0x2  }
0x26: {  	s0 =	sshra.s32 s0, $0x2  }
0x27: {  	[tilespmem:s0+$0x10080] =	vst v0  }
0x28: {  	v1 =	vld [tilespmem:$0x0];
	_ =	sdelay $0x4  }
0x29: {  	(v2sf) =	vpush v1, $0x0;
	_ =	sdelay $0xe  }
0x2a: {  	s30 =	spop (v2sf)  }
0x2b: {  	s0 =	sshll.u32 s30, $0xA  }
0x2c: {  	s0 =	ssub.s32 s0, s7  }
0x2d: {  	p1 =	slt.s32 s0, $0x1  }
0x2e: {  	s0 =	simm.s32 @!p1 $0x0;
	s3 =	simm.s32 @!p1 $0x80  }
0x2f: {  	[tilespmem:s3], [sflag:$0x1] =	stream.linear.gather @!p1 [hbm4b:s8+s0], $0x4000, $0x38;
	[tilespmem:$0x14080] =	vst v63  }
0x30: {  	v1 =	vld [tilespmem:$0x0];
	_ =	sdelay $0x4  }
0x31: {  	(v2sf) =	vpush v1, $0x0;
	_ =	sdelay $0xe  }
0x32: {  	s31 =	spop (v2sf)  }
.Ltmp3:
0x33: {  	s0 =	sshll.u32 s31, $0xA;
	(pc) =	sbr.rel .LBB2_4-.Ltmp3, $4  }
0x34: {  	s0 =	ssub.s32 s0, s9  }
0x35: {  	p1 =	slt.s32 s0, $0x1  }
0x36: {  	s25 =	simm.s32 $0x0;
	s0 =	simm.s32 @!p1 $0x0;
	s3 =	simm.s32 @!p1 $0x4080  }
0x37: {  	[tilespmem:s3], [sflag:$0x2] =	stream.linear.gather @!p1 [hbm4b:s10+s0], $0x4000, $0x38;
	[tilespmem:$0x14080] =	vst v63  }
.LBB2_20:
0x38: {  	s0 =	simm.s32 @!p1 $0xC080  }
0x39: {  	s0 =	simm.s32 @p1 $0x10080  }
.LBB2_24:
0x3a: {  	s25 =	sadd.s32 $0x1, s25  }
0x3b: {  	p1 =	sne.s32 s25, $0x10  }
.Ltmp4:
0x3c: {  	_ = 	snop;
	(pc) =	sbr.rel @!p1 .LBB2_25-.Ltmp4, $4  }
0x3d: {  	s2 =	sshll.u32 s26, $0xB  }
0x3e: {  	s2 =	sand.u32 $0x1FFFF800, s2  }
0x3f: {  	s2 =	sadd.s32 s6, s2  }
0x40: {  	[hbm4b:s2+s4] =	stream.linear.scatter [tilespmem:s0], [sflag:$0x8], $0x4000, $0x38;
	[tilespmem:$0x14080] =	vst v63  }
.LBB2_4:
0x41: {  	v1 =	vld [tilespmem:s25+$0x0];
	_ =	sdelay $0x4  }
0x42: {  	(v2sf) =	vpush v1, $0x0;
	_ =	sdelay $0xe  }
0x43: {  	s0 =	spop (v2sf)  }
0x44: {  	p1 =	seq.s32 s25, $0x0;
	s0 =	sshll.u32 s0, $0xA  }
0x45: {  	s30 =	sshll.u32 s25, $0x7;
	s3 =	simm.s32 @!p1 $0x7;
	s0 =	ssub.s32 s0, s19  }
0x46: {  	s28 =	sor.u32 s11, s30;
	_ =	swait.ge @!p1 [sflag:s3], $0x4000;
	p2 =	slt.s32 s0, $0x1  }
0x47: {  	[sflag:s3] =	ssyncset.done @!p1 $0x0;
	s0 =	sshll.u32 @!p2 s28, $0xB  }
0x48: {  	[sflag:s3] =	ssyncadd.s32 @!p1 $0xFFFFC000;
	s0 =	sand.u32 @!p2 $0x1FFEF800, s0  }
0x49: {  	s3 =	simm.s32 @!p2 $0x0;
	s26 =	simm.s32 @!p2 $0x8080;
	s0 =	sadd.s32 @!p2 s1, s0  }
0x4a: {  	[tilespmem:s26], [sflag:$0x3] =	stream.linear.gather @!p2 [hbm4b:s0+s3], $0x4000, $0x38;
	[tilespmem:$0x14080] =	vst v63  }
0x4b: {  	s26 =	sor.u32 s5, s30  }
0x4c: {  	p6 =	seq.s32 s26, $0x0  }
0x4d: {  	p2 =	por !p0, !p6  }
0x4e: {  	s0 =	simm.s32 $0x1;
	p2 =	por !p2, !p2  }
0x4f: {  	s0 =	simm.s32 @!p2 $0x0  }
0x50: {  	s0 =	ssub.s32 s25, s0  }
0x51: {  	v1 =	vld [tilespmem:s0+$0x0];
	_ =	sdelay $0x4  }
0x52: {  	(v2sf) =	vpush v1, $0x0;
	_ =	sdelay $0xe  }
0x53: {  	s31 =	spop (v2sf)  }
0x54: {  	s0 =	sshll.u32 s31, $0xA  }
0x55: {  	s0 =	ssub.s32 s0, s7  }
0x56: {  	p2 =	slt.s32 s0, $0x1  }
0x57: {  	p3 =	sgt.u32 @!p2 s0, $0x3FFF  }
0x58: {  	p3 =	por p2, p3  }
.Ltmp5:
0x59: {  	_ = 	snop;
	(pc) =	sbr.rel @p3 .LBB2_5-.Ltmp5, $4  }
0x5a: {  	s3 =	simm.s32 @!p2 $0x1  }
0x5b: {  	_ =	swait.ge @!p2 [sflag:s3], $0x4000  }
0x5c: {  	[sflag:s3] =	ssyncset.done @!p2 $0x0  }
0x5d: {  	[sflag:s3] =	ssyncadd.s32 @!p2 $0xFFFFC000  }
0x5e: {  	s3 =	sshll.u32 s0, $0x2  }
0x5f: {  	s31 =	sshrl.u32 s0, $0x4;
	s3 =	sshra.s32 s3, $0x2  }
0x60: {  	s0 =	ssub.s32 $0x400, s31;
	s3 =	sadd.s32 $0x80, s3  }
.LBB2_7:
0x61: {  	p2 =	sne.s32 s0, $0x1  }
.Ltmp6:
0x62: {  	_ = 	snop;
	(pc) =	sbr.rel @p2 .LBB2_7-.Ltmp6, $2  }
0x63: {  	_ =	sdelay $0x2  }
0x64: {  	[tilespmem:s3+$0x0] =	vst v0;
	s3 =	sadd.s32 $0x10, s3;
	s0 =	sadd.s32 $0xFFFFFFFF, s0  }
.Ltmp7:
0x65: {  	(pc) =	sbr.rel .LBB2_9-.Ltmp7, $2  }
0x66: {  	_ =	sdelay $0x2  }
0x67: {  	s0 =	simm.s32 $0x80  }
.LBB2_5:
0x68: {  	s0 =	simm.s32 @!p2 $0x80  }
0x69: {  	s0 =	simm.s32 @p2 $0x10080  }
.LBB2_9:
0x6a: {  	s31 =	sshll.u32 s26, $0xB  }
0x6b: {  	s3 =	sadd.s32 s6, s31  }
0x6c: {  	[hbm4b:s3+s4] =	stream.linear.scatter [tilespmem:s0], [sflag:$0x5], $0x4000, $0x38;
	[tilespmem:$0x14080] =	vst v63  }
0x6d: {  	v1 =	vld [tilespmem:s25+$0x0];
	_ =	sdelay $0x4  }
0x6e: {  	(v2sf) =	vpush v1, $0x0;
	_ =	sdelay $0xd  }
0x6f: {  	s26 =	sor.u32 s12, s30  }
0x70: {  	s2 =	sshll.u32 s26, $0xE;
	s0 =	spop (v2sf)  }
0x71: {  	s29 =	sand.u32 $0x1FC000, s2;
	s0 =	sshll.u32 s0, $0xA  }
0x72: {  	s3 =	simm.s32 @!p1 $0x8;
	s0 =	ssub.s32 s0, s29  }
0x73: {  	_ =	swait.ge @!p1 [sflag:s3], $0x4000;
	p2 =	slt.s32 s0, $0x1  }
0x74: {  	[sflag:s3] =	ssyncset.done @!p1 $0x0;
	s0 =	sshll.u32 @!p2 s26, $0xB  }
0x75: {  	[sflag:s3] =	ssyncadd.s32 @!p1 $0xFFFFC000;
	s0 =	sand.u32 @!p2 $0x1FFFF800, s0  }
0x76: {  	s3 =	simm.s32 @!p2 $0x0;
	s2 =	simm.s32 @!p2 $0xC080;
	s0 =	sadd.s32 @!p2 s1, s0  }
0x77: {  	[tilespmem:s2], [sflag:$0x4] =	stream.linear.gather @!p2 [hbm4b:s0+s3], $0x4000, $0x38;
	[tilespmem:$0x14080] =	vst v63  }
0x78: {  	v1 =	vld [tilespmem:s25+$0x0];
	_ =	sdelay $0x4  }
0x79: {  	(v2sf) =	vpush v1, $0x0;
	_ =	sdelay $0xe  }
0x7a: {  	s0 =	spop (v2sf)  }
0x7b: {  	s3 =	sshll.u32 s0, $0xA  }
0x7c: {  	s3 =	ssub.s32 s3, s13  }
0x7d: {  	p1 =	slt.s32 s3, $0x1  }
0x7e: {  	p2 =	sgt.u32 @!p1 s3, $0x3FFF  }
0x7f: {  	p2 =	por p1, p2  }
.Ltmp8:
0x80: {  	_ = 	snop;
	(pc) =	sbr.rel @p2 .LBB2_10-.Ltmp8, $4  }
0x81: {  	s2 =	simm.s32 @!p1 $0x2  }
0x82: {  	_ =	swait.ge @!p1 [sflag:s2], $0x4000  }
0x83: {  	[sflag:s2] =	ssyncset.done @!p1 $0x0  }
0x84: {  	[sflag:s2] =	ssyncadd.s32 @!p1 $0xFFFFC000  }
0x85: {  	s0 =	sshll.u32 s0, $0xC  }
0x86: {  	s2 =	sshrl.u32 s3, $0x4;
	s3 =	sshra.s32 s0, $0x2  }
0x87: {  	s0 =	ssub.s32 $0x400, s2;
	s3 =	sadd.s32 s3, s15  }
.LBB2_12:
0x88: {  	p1 =	sne.s32 s0, $0x1  }
.Ltmp9:
0x89: {  	_ = 	snop;
	(pc) =	sbr.rel @p1 .LBB2_12-.Ltmp9, $2  }
0x8a: {  	_ =	sdelay $0x2  }
0x8b: {  	[tilespmem:s3+$0x0] =	vst v0;
	s3 =	sadd.s32 $0x10, s3;
	s0 =	sadd.s32 $0xFFFFFFFF, s0  }
.Ltmp10:
0x8c: {  	(pc) =	sbr.rel .LBB2_14-.Ltmp10, $2  }
0x8d: {  	_ =	sdelay $0x2  }
0x8e: {  	s0 =	simm.s32 $0x4080  }
.LBB2_10:
0x8f: {  	s0 =	simm.s32 @!p1 $0x4080  }
0x90: {  	s0 =	simm.s32 @p1 $0x10080  }
.LBB2_14:
0x91: {  	s2 =	sand.u32 $0x1FFCF800, s31  }
0x92: {  	s2 =	sadd.s32 s2, s6  }
0x93: {  	p1 =	seq.s32 s25, $0xF;
	s2 =	sadd.s32 $0x10000, s2  }
0x94: {  	[hbm4b:s2+s4] =	stream.linear.scatter [tilespmem:s0], [sflag:$0x6], $0x4000, $0x38;
	[tilespmem:$0x14080] =	vst v63  }
0x95: {  	s0 =	sadd.s32 @!p1 $0x80, s30  }
0x96: {  	s2 =	sshrl.u32 @!p1 s0, $0x7  }
0x97: {  	v1 =	vld @!p1 [tilespmem:s2+$0x0];
	_ =	sdelay $0x4  }
0x98: {  	(v2sf) =	vpush @!p1 v1, $0x0;
	_ =	sdelay $0xe  }
0x99: {  	s2 =	spop @!p1 (v2sf)  }
0x9a: {  	s2 =	sshll.u32 @!p1 s2, $0xA  }
0x9b: {  	s2 =	ssub.s32 @!p1 s2, s7  }
0x9c: {  	s3 =	simm.s32 @!p1 $0x5;
	p2 =	slt.s32 @!p1 s2, $0x1  }
0x9d: {  	_ =	swait.ge @!p1 [sflag:s3], $0x4000;
	p2 =	por p2, p1  }
0x9e: {  	[sflag:s3] =	ssyncset.done @!p1 $0x0;
	s0 =	sor.u32 @!p2 s5, s0  }
0x9f: {  	[sflag:s3] =	ssyncadd.s32 @!p1 $0xFFFFC000;
	s0 =	sshll.u32 @!p2 s0, $0xB  }
0xa0: {  	s2 =	simm.s32 @!p2 $0x0;
	s3 =	simm.s32 @!p2 $0x80;
	s0 =	sadd.s32 @!p2 s1, s0  }
0xa1: {  	[tilespmem:s3], [sflag:$0x1] =	stream.linear.gather @!p2 [hbm4b:s0+s2], $0x4000, $0x38;
	[tilespmem:$0x14080] =	vst v63  }
0xa2: {  	v1 =	vld [tilespmem:s25+$0x0];
	_ =	sdelay $0x4  }
0xa3: {  	(v2sf) =	vpush v1, $0x0;
	_ =	sdelay $0xe  }
0xa4: {  	s0 =	spop (v2sf)  }
0xa5: {  	s31 =	sshll.u32 s0, $0xA  }
0xa6: {  	s3 =	ssub.s32 s31, s19  }
0xa7: {  	p2 =	slt.s32 s3, $0x1  }
0xa8: {  	p3 =	sgt.u32 @!p2 s3, $0x3FFF  }
0xa9: {  	p3 =	por p2, p3  }
.Ltmp11:
0xaa: {  	_ = 	snop;
	(pc) =	sbr.rel @p3 .LBB2_15-.Ltmp11, $4  }
0xab: {  	s2 =	simm.s32 @!p2 $0x3  }
0xac: {  	_ =	swait.ge @!p2 [sflag:s2], $0x4000  }
0xad: {  	[sflag:s2] =	ssyncset.done @!p2 $0x0  }
0xae: {  	[sflag:s2] =	ssyncadd.s32 @!p2 $0xFFFFC000  }
0xaf: {  	s0 =	sshll.u32 s0, $0xC  }
0xb0: {  	s2 =	sshrl.u32 s3, $0x4;
	s31 =	sshra.s32 s0, $0x2  }
0xb1: {  	s0 =	ssub.s32 $0x400, s2;
	s3 =	sadd.s32 s31, s16  }
.LBB2_17:
0xb2: {  	p2 =	sne.s32 s0, $0x1  }
.Ltmp12:
0xb3: {  	_ = 	snop;
	(pc) =	sbr.rel @p2 .LBB2_17-.Ltmp12, $2  }
0xb4: {  	_ =	sdelay $0x2  }
0xb5: {  	[tilespmem:s3+$0x0] =	vst v0;
	s3 =	sadd.s32 $0x10, s3;
	s0 =	sadd.s32 $0xFFFFFFFF, s0  }
.Ltmp13:
0xb6: {  	(pc) =	sbr.rel .LBB2_19-.Ltmp13, $2  }
0xb7: {  	_ =	sdelay $0x2  }
0xb8: {  	s0 =	simm.s32 $0x8080  }
.LBB2_15:
0xb9: {  	s0 =	simm.s32 @!p2 $0x8080  }
0xba: {  	s0 =	simm.s32 @p2 $0x10080  }
.LBB2_19:
0xbb: {  	s2 =	sshll.u32 s28, $0xB  }
0xbc: {  	s2 =	sand.u32 $0x1FFEF800, s2  }
0xbd: {  	s3 =	sshll.u32 s25, $0x2;
	s2 =	sadd.s32 s6, s2  }
0xbe: {  	[hbm4b:s2+s4] =	stream.linear.scatter [tilespmem:s0], [sflag:$0x7], $0x4000, $0x38;
	[tilespmem:$0x14080] =	vst v63  }
0xbf: {  	s0 =	sadd.s32 @!p1 $0x5, s3  }
0xc0: {  	s2 =	sshrl.u32 @!p1 s0, $0x2  }
0xc1: {  	v1 =	vld @!p1 [tilespmem:s2+$0x0];
	_ =	sdelay $0x4  }
0xc2: {  	(v2sf) =	vpush @!p1 v1, $0x0;
	_ =	sdelay $0xc  }
0xc3: {  	s0 =	sshll.u32 @!p1 s0, $0x5  }
0xc4: {  	s0 =	sor.u32 @!p1 s5, s0  }
0xc5: {  	s3 =	sshll.u32 @!p1 s0, $0xE;
	s2 =	spop @!p1 (v2sf)  }
0xc6: {  	s3 =	sand.u32 @!p1 $0xFC000, s3;
	s2 =	sshll.u32 @!p1 s2, $0xA  }
0xc7: {  	s2 =	ssub.s32 @!p1 s2, s3  }
0xc8: {  	s3 =	simm.s32 @!p1 $0x6;
	p2 =	slt.s32 @!p1 s2, $0x1  }
0xc9: {  	_ =	swait.ge @!p1 [sflag:s3], $0x4000;
	p2 =	por p2, p1  }
0xca: {  	[sflag:s3] =	ssyncset.done @!p1 $0x0;
	s0 =	sshll.u32 @!p2 s0, $0xB  }
0xcb: {  	[sflag:s3] =	ssyncadd.s32 @!p1 $0xFFFFC000;
	s0 =	sand.u32 @!p2 $0x1FFDF800, s0  }
0xcc: {  	s2 =	simm.s32 @!p2 $0x0;
	s3 =	simm.s32 @!p2 $0x4080;
	s0 =	sadd.s32 @!p2 s1, s0  }
0xcd: {  	[tilespmem:s3], [sflag:$0x2] =	stream.linear.gather @!p2 [hbm4b:s0+s2], $0x4000, $0x38;
	[tilespmem:$0x14080] =	vst v63  }
0xce: {  	v1 =	vld [tilespmem:s25+$0x0];
	_ =	sdelay $0x4  }
0xcf: {  	(v2sf) =	vpush v1, $0x0;
	_ =	sdelay $0xe  }
0xd0: {  	s0 =	spop (v2sf)  }
0xd1: {  	s31 =	sshll.u32 s0, $0xA  }
0xd2: {  	s3 =	ssub.s32 s31, s29  }
0xd3: {  	p1 =	slt.s32 s3, $0x1  }
0xd4: {  	p2 =	sgt.u32 @!p1 s3, $0x3FFF  }
0xd5: {  	p2 =	por p1, p2  }
.Ltmp14:
0xd6: {  	_ = 	snop;
	(pc) =	sbr.rel @p2 .LBB2_20-.Ltmp14, $4  }
0xd7: {  	s2 =	simm.s32 @!p1 $0x4  }
0xd8: {  	_ =	swait.ge @!p1 [sflag:s2], $0x4000  }
0xd9: {  	[sflag:s2] =	ssyncset.done @!p1 $0x0  }
0xda: {  	[sflag:s2] =	ssyncadd.s32 @!p1 $0xFFFFC000  }
0xdb: {  	s0 =	sshll.u32 s0, $0xC  }
0xdc: {  	s2 =	sshrl.u32 s3, $0x4;
	s31 =	sshra.s32 s0, $0x2  }
0xdd: {  	s0 =	ssub.s32 $0x400, s2;
	s3 =	sadd.s32 s31, s17  }
.LBB2_22:
0xde: {  	p1 =	sne.s32 s0, $0x1  }
.Ltmp15:
0xdf: {  	_ = 	snop;
	(pc) =	sbr.rel @p1 .LBB2_22-.Ltmp15, $2  }
0xe0: {  	_ =	sdelay $0x2  }
0xe1: {  	[tilespmem:s3+$0x0] =	vst v0;
	s3 =	sadd.s32 $0x10, s3;
	s0 =	sadd.s32 $0xFFFFFFFF, s0  }
.Ltmp16:
0xe2: {  	(pc) =	sbr.rel .LBB2_24-.Ltmp16, $2  }
0xe3: {  	_ =	sdelay $0x2  }
0xe4: {  	s0 =	simm.s32 $0xC080  }
.LBB2_26:
0xe5: {  	_ =	sfence.sel $0x180000  }
0xe6: {  	[bflag:$0x0] =	sbarrier.arrive $0xFFFF  }
0xe7: {  	_ =	strace $0x9000004A  }
0xe8: {  	s0 =	stileid.u32;
	[bflag:$0x2] =	sbarrier.arrive $0xFFFF  }
0xe9: {  	p0 =	sne.s32 s0, $0x0;
	s0 =	rddreg [dreg:$0x3]  }
0xea: {  	s0 =	sadd.s32 @!p0 $0x100000, s0  }
0xeb: {  	[sflag:s0] =	ssyncadd.tile.s32 @!p0 $0x1;
	_ =	shalt  }
.Lfunc_end2:
_tile_overlayer_lowered:
.L_overlay_start_2:
0xec: {  	(tag) =	ssettag $0x2  }
0xed: {  	s0 =	rddreg [dreg:$0x0];
	s2 =	stileid.u32  }
0xee: {  	s1 =	rddreg [dreg:$0x1];
	p0 =	sne.s32 s2, $0x0  }
0xef: {  	s3 =	rddreg [dreg:$0x2];
	[bflag:$0x3] =	sbarrier.arrive $0xFFFF;
	s2 =	simm.s32 @!p0 $0x1C09  }
0xf0: {  	[timem:s3], [sflag:s2] =	dma.local @!p0 [hbm:s0], s1  }
0xf1: {  	s0 =	simm.s32 @!p0 $0x9  }
0xf2: {  	_ =	swait.ge @!p0 [sflag:s0], s1  }
0xf3: {  	s1 =	ssub.s32 @!p0 $0x0, s1;
	[sflag:s0] =	ssyncset.done @!p0 $0x0  }
0xf4: {  	[sflag:s0] =	ssyncadd.s32 @!p0 s1  }
0xf5: {  	[bflag:$0x3] =	sbarrier.arrive $0xFFFF  }
0xf6: {  	_ =	shalt  }

// kernel: sparse-core-data-format-call.cloned.1.call-start
scs
called_computation_lowered:
.L_overlay_start_0:
0x0: {  	s2 =	sld [smem:$0x3FD9]  }
0x1: {  	s3 =	sld [smem:$0x3FFE];
	_ =	sdelay $0x1  }
0x2: {  	s1 =	srdreg.scid  }
0x3: {  	s0 =	sand.u32 $0x1, s1  }
0x4: {  	s19 =	sshll.u32 s0, $0xA;
	s2 =	sadd.s32 s3, s2  }
0x5: {  	s2 =	sadd.s32 s2, s19  }
0x6: {  	[smem:$0x3FC6] =	sst s2  }
0x7: {  	_ = 	snop  }
0x8: {  	s2 =	sld [smem:$0x3FC9]  }
0x9: {  	s20 =	sld [smem:$0x3FD0];
	(tm) =	ssettm $0x1  }
0xa: {  	s4 =	sld [smem:$0x3FFB];
	_ =	sdelay $0x3  }
0xb: {  	_ =	strace s4  }
0xc: {  	s4 =	sld [smem:$0x3FFC];
	_ =	sdelay $0x3  }
0xd: {  	_ =	strace s4  }
0xe: {  	s4 =	sld [smem:$0x3FFD];
	_ =	sdelay $0x3  }
0xf: {  	_ =	strace s4  }
0x10: {  	_ =	strace $0x8FFFFFFF  }
0x11: {  	s21 =	sld [smem:$0x3FDB];
	_ =	sdelay $0x1  }
0x12: {  	s5 =	simm.s32 $_scs_section_size  }
0x13: {  	s6 =	simm.s32 $_size__tile_overlayer_lowered;
	s7 =	simm.s32 $_tile_overlayer_lowered  }
0x14: {  	s24 =	simm.s32 $0x1BFF;
	s23 =	sshll.u32 s7, $0x1;
	s4 =	sadd.s32 s5, s21  }
0x15: {  	s8 =	simm.s32 $0x0;
	s22 =	sshll.u32 s6, $0x1;
	s6 =	sadd.s32 s23, s4  }
0x16: {  	[timem:s8], [sflag:s24] =	dma.local [hbm:s6], s22  }
0x17: {  	_ =	swait.ge [sflag:s24], s22  }
0x18: {  	s5 =	ssub.s32 $0x0, s22;
	[sflag:s24] =	ssyncset.done $0x0  }
0x19: {  	[sflag:s24] =	ssyncadd.s32 s5;
	_ =	sdelay $0x1  }
0x1a: {  	s25 =	simm.s32 $0x1B8B  }
0x1b: {  	_ =	swait.ge [sflag:s25], $0x1  }
0x1c: {  	[sflag:s25] =	ssyncset.done $0x0  }
0x1d: {  	s26 =	simm.s32 $0x1B8E;
	[sflag:s25] =	ssyncadd.s32 $0xFFFFFFFF  }
0x1e: {  	s27 =	simm.s32 $execute0_lowered;
	[smem:$0x3FD2] =	sst s26  }
0x1f: {  	s5 =	sshll.u32 s27, $0x1;
	_ =	strace $0x80000046;
	[dreg:$0x1] =	wrdreg $0xFFFFFFFF  }
0x20: {  	s28 =	simm.s32 $_size_execute0_lowered;
	s4 =	sadd.s32 s4, s5;
	[dreg:$0x0] =	wrdreg $0x0  }
0x21: {  	s5 =	sshll.u32 s28, $0x1;
	[dreg:$0x2] =	wrdreg s4  }
0x22: {  	[dreg:$0x3] =	wrdreg s5  }
0x23: {  	[dreg:$0x4] =	wrdreg $0xC0  }
0x24: {  	_ =	task [dreg:s8], $0x5FFFF  }
0x25: {  	[dreg:$0x1] =	wrdreg $0xFFFFFFFF  }
0x26: {  	[dreg:$0x0] =	wrdreg $0x60  }
0x27: {  	[dreg:$0x2] =	wrdreg s2  }
0x28: {  	[dreg:$0x3] =	wrdreg s20  }
0x29: {  	[dreg:$0x4] =	wrdreg $0x9  }
0x2a: {  	_ =	task.clear_ibuf [dreg:s8], $0x5FFFF;
	_ =	strace $0x90000046  }
0x2b: {  	s29 =	simm.s32 $0x9;
	_ =	strace $0x80000048  }
0x2c: {  	_ =	swait.ge [sflag:s29], $0x1  }
0x2d: {  	[sflag:s29] =	ssyncadd.s32 $0xFFFFFFFF  }
0x2e: {  	_ =	strace $0x90000048  }
0x2f: {  	_ =	sfence  }
0x30: {  	s30 =	sld [smem:$0x0];
	_ =	sdelay $0x2  }
0x31: {  	s31 =	sshll.u32 s1, $0xD;
	s1 =	sshrl.u32 s1, $0x2  }
0x32: {  	s3 =	sand.u32 $0x4000, s31;
	s1 =	sadd.s32 s1, s30  }
0x33: {  	s0 =	sor.u32 s3, s0;
	s1 =	sshll.u32 s1, $0x11  }
0x34: {  	s0 =	sor.u32 s1, s0  }
0x35: {  	s0 =	sadd.s32 $0x8F2B, s0  }
0x36: {  	[sflag:s0] =	ssyncadd.remote.s32 $0x1  }
0x37: {  	_ =	sfence.sel $0xFFFF  }
0x38: {  	[dreg:$0x0] =	wrdreg $0xFFFFFFFF;
	(pc) =	sbr.abs _section_cstart, $3  }
0x39: {  	[dreg:$0x1] =	wrdreg $0xFFFFFFFF  }
0x3a: {  	_ =	task.clear_ibuf [dreg:s8], $0x2FFFF;
	_ =	strace $0x9FFFFFFF  }
0x3b: {  	(tm) =	ssettm $0x7FFFFFFF  }
tec
execute0_lowered:
.L_overlay_start_1:
0x0: {  	(tag) =	ssettag $0x1  }
0x1: {  	s0 =	srdreg.scid  }
0x2: {  	s1 =	sshll.u32 s0, $0x4  }
0x3: {  	s2 =	rddreg [dreg:$0x0];
	s0 =	stileid.u32;
	s1 =	sand.u32 $0x10, s1  }
0x4: {  	s4 =	rddreg [dreg:$0x1];
	s1 =	sor.u32 s0, s1  }
0x5: {  	s7 =	simm.s32 $0x1;
	s8 =	simm.s32 $0x2;
	s3 =	sshll.u32 s1, $0x1  }
0x6: {  	s9 =	simm.s32 $0x0;
	s12 =	simm.s32 $0x0;
	s6 =	ssub.s32 $0x1000, s3  }
.Ltmp0:
0x7: {  	s11 =	simm.s32 $0x0;
	s5 =	sand.u32 $0x3E, s6;
	(pc) =	sbr.rel .LBB1_1-.Ltmp0, $4  }
0x8: {  	s1 =	rddreg [dreg:$0x2];
	_ =	strace $0x80000047;
	p0 =	sne.s32 s5, $0x0  }
0x9: {  	s6 =	sshrl.u32 s6, $0x6;
	s5 =	simm.s32 $0x1;
	s7 =	simm.s32 @!p0 $0x0  }
0xa: {  	s10 =	smov.u32 s3;
	[sflag:s5] =	ssyncpa.u1 $0x0;
	s6 =	sadd.s32 s7, s6  }
0xb: {  	[sflag:s8] =	ssyncpa.u1 $0x0;
	s8 =	simm.s32 $0x0;
	s7 =	sadd.s32 $0x1, s6  }
.LBB1_9:
0xc: {  	s14 =	sadd.s32 $0x40, s10  }
0xd: {  	p1 =	sgt.s32 s14, $0xFFF  }
0xe: {  	s14 =	smov.u32 @p1 s3;
	p1 =	sne.s32 s11, s7  }
.Ltmp1:
0xf: {  	p0 =	slt.u32 s11, $0x2;
	(pc) =	sbr.rel @!p1 .LBB1_10-.Ltmp1, $4  }
0x10: {  	s13 =	simm.s32 @!p0 $0x2  }
0x11: {  	s15 =	sadd.s32 $0x1, s11;
	_ =	swait.ge @!p0 [sflag:s13], $0x4000  }
0x12: {  	s12 =	smov.u32 s10;
	s9 =	sadd.s32 $0x4000, s9;
	[sflag:s13] =	ssyncset.done @!p0 $0x0  }
0x13: {  	s11 =	smov.u32 s15;
	s10 =	smov.u32 s14;
	[sflag:s13] =	ssyncadd.s32 @!p0 $0xFFFFC000  }
.LBB1_1:
0x14: {  	p0 =	sge.u32 s11, s6  }
0x15: {  	s13 =	sxor.u32 @!p0 $0xFFFFFFFF, s11  }
0x16: {  	s31 =	sadd.s32 $0xFFFFFFFF, s11;
	s14 =	sshll.u32 @!p0 s10, $0xA;
	s13 =	sshll.u32 @!p0 s13, $0xE  }
0x17: {  	s15 =	simm.s32 @!p0 $0x0;
	s14 =	sadd.s32 @!p0 s2, s14;
	s13 =	sand.u32 @!p0 $0x4000, s13  }
0x18: {  	[tilespmem:s13], [sflag:$0x1] =	stream.linear.gather @!p0 [hbm4b:s14+s15], $0x4000, $0x38;
	[tilespmem:$0x10000] =	vst v63  }
0x19: {  	p0 =	sge.u32 s31, s6  }
.Ltmp2:
0x1a: {  	_ = 	snop;
	(pc) =	sbr.rel @p0 .LBB1_9-.Ltmp2, $1  }
0x1b: {  	_ =	sdelay $0x3  }
0x1c: {  	s13 =	sshll.u32 s9, $0x2  }
0x1d: {  	_ =	swait.ge [sflag:s5], $0x4000;
	s14 =	sshll.u32 s11, $0xE;
	s16 =	simm.s32 $0x0  }
0x1e: {  	p1 =	por $0x1, $0x1;
	s13 =	sand.u32 $0x10000, s13;
	[sflag:s5] =	ssyncset.done $0x0  }
0x1f: {  	s14 =	sand.u32 $0x4000, s14;
	s15 =	sshrl.u32 s13, $0x2;
	[sflag:s5] =	ssyncadd.s32 $0xFFFFC000  }
0x20: {  	s13 =	sor.u32 $0x8000, s14;
	s14 =	sadd.s32 $0x8040, s15;
	s15 =	sadd.s32 $0x40, s15  }
.LBB1_3:
0x21: {  	s16 =	sshll.u32 s16, $0x2  }
0x22: {  	p0 =	por p1, p1;
	s17 =	sshra.s32 s16, $0x2  }
0x23: {  	s18 =	simm.s32 $0x0;
	s16 =	sadd.s32 s17, s14;
	s17 =	sadd.s32 s17, s15  }
.LBB1_4:
0x24: {  	v0 =	vmov s17;
	_ =	sdelay $0x3  }
0x25: {  	s20 =	simm.s32 $0x0  }
0x26: {  	v6 =	vld.idx.msk [tilespmem:v0+s20+$0x30 ss:$0x1], $0xffff  }
0x27: {  	v7 =	vld.idx.msk [tilespmem:v0+s20+$0xFFFFFFC0 ss:$0x1], $0xffff  }
0x28: {  	v5 =	vld.idx.msk [tilespmem:v0+s20+$0xFFFFFFD0 ss:$0x1], $0xffff  }
0x29: {  	v4 =	vld.idx.msk [tilespmem:v0+s20+$0xFFFFFFE0 ss:$0x1], $0xffff  }
0x2a: {  	v3 =	vld.idx.msk [tilespmem:v0+s20+$0xFFFFFFF0 ss:$0x1], $0xffff  }
0x2b: {  	v1 =	vld.idx.msk [tilespmem:v0+s20+$0x0 ss:$0x1], $0xffff  }
0x2c: {  	v2 =	vld.idx.msk [tilespmem:v0+s20+$0x10 ss:$0x1], $0xffff;
	[tilespmem:s16+$0x30] =	vst v6  }
0x2d: {  	s19 =	simm.s32 $0x80;
	s21 =	simm.s32 $0x400;
	[tilespmem:s16+$0xFFFFFFC0] =	vst v7;
	v6 =	vld.idx.msk [tilespmem:v0+s20+$0x20 ss:$0x1], $0xffff;
	s20 =	smov.u32 s16  }
.LBB1_5:
0x2e: {  	p1 =	sne.s32 s21, $0xE00;
	v7 =	vld.idx.msk [tilespmem:v0+s19+$0x30 ss:$0x1], $0xffff;
	[tilespmem:s20+$0xFFFFFFD0] =	vst v5  }
0x2f: {  	v8 =	vld.idx.msk [tilespmem:v0+s19+$0xFFFFFFC0 ss:$0x1], $0xffff;
	[tilespmem:s20+$0xFFFFFFE0] =	vst v4  }
0x30: {  	v5 =	vld.idx.msk [tilespmem:v0+s19+$0xFFFFFFD0 ss:$0x1], $0xffff;
	[tilespmem:s20+$0xFFFFFFF0] =	vst v3  }
.Ltmp3:
0x31: {  	v4 =	vld.idx.msk [tilespmem:v0+s19+$0xFFFFFFE0 ss:$0x1], $0xffff;
	[tilespmem:s20+$0x0] =	vst v1;
	(pc) =	sbr.rel @p1 .LBB1_5-.Ltmp3, $4  }
0x32: {  	v3 =	vld.idx.msk [tilespmem:v0+s19+$0xFFFFFFF0 ss:$0x1], $0xffff;
	[tilespmem:s20+$0x10] =	vst v2  }
0x33: {  	v1 =	vld.idx.msk [tilespmem:v0+s19+$0x0 ss:$0x1], $0xffff;
	[tilespmem:s20+$0x20] =	vst v6;
	s20 =	sadd.s32 $0x400, s20  }
0x34: {  	v2 =	vld.idx.msk [tilespmem:v0+s19+$0x10 ss:$0x1], $0xffff;
	[tilespmem:s20+$0x30] =	vst v7  }
0x35: {  	[tilespmem:s20+$0xFFFFFFC0] =	vst v8;
	v6 =	vld.idx.msk [tilespmem:v0+s19+$0x20 ss:$0x1], $0xffff;
	s19 =	sshra.s32 s21, $0x2;
	s21 =	sadd.s32 $0x200, s21  }
0x36: {  	_ =	sdelay $0x2  }
0x37: {  	[tilespmem:s20+$0xFFFFFFD0] =	vst v5  }
0x38: {  	v56 =	vld.idx.msk [tilespmem:v0+s19+$0x30 ss:$0x1], $0xffff;
	[tilespmem:s20+$0xFFFFFFE0] =	vst v4  }
0x39: {  	v57 =	vld.idx.msk [tilespmem:v0+s19+$0xFFFFFFC0 ss:$0x1], $0xffff;
	[tilespmem:s20+$0xFFFFFFF0] =	vst v3  }
0x3a: {  	v58 =	vld.idx.msk [tilespmem:v0+s19+$0xFFFFFFD0 ss:$0x1], $0xffff;
	[tilespmem:s20+$0x0] =	vst v1  }
0x3b: {  	v59 =	vld.idx.msk [tilespmem:v0+s19+$0xFFFFFFE0 ss:$0x1], $0xffff;
	[tilespmem:s20+$0x10] =	vst v2  }
0x3c: {  	v60 =	vld.idx.msk [tilespmem:v0+s19+$0xFFFFFFF0 ss:$0x1], $0xffff;
	s31 =	sadd.s32 $0x400, s20;
	[tilespmem:s20+$0x20] =	vst v6  }
0x3d: {  	v61 =	vld.idx.msk [tilespmem:v0+s19+$0x0 ss:$0x1], $0xffff;
	[tilespmem:s31+$0x30] =	vst v56  }
0x3e: {  	v62 =	vld.idx.msk [tilespmem:v0+s19+$0x10 ss:$0x1], $0xffff;
	s18 =	sadd.s32 $0x1, s18;
	[tilespmem:s31+$0xFFFFFFC0] =	vst v57  }
0x3f: {  	v63 =	vld.idx.msk [tilespmem:v0+s19+$0x20 ss:$0x1], $0xffff;
	p1 =	sne.s32 s18, $0x8;
	[tilespmem:s31+$0xFFFFFFD0] =	vst v58  }
.Ltmp4:
0x40: {  	[tilespmem:s31+$0xFFFFFFE0] =	vst v59;
	(pc) =	sbr.rel @p1 .LBB1_4-.Ltmp4, $4  }
0x41: {  	[tilespmem:s31+$0xFFFFFFF0] =	vst v60  }
0x42: {  	[tilespmem:s31+$0x0] =	vst v61  }
0x43: {  	[tilespmem:s31+$0x10] =	vst v62  }
0x44: {  	s16 =	sadd.s32 $0x80, s16;
	s17 =	sadd.s32 $0x400, s17;
	[tilespmem:s31+$0x20] =	vst v63  }
.Ltmp5:
0x45: {  	(pc) =	sbr.rel @p0 .LBB1_3-.Ltmp5, $2  }
0x46: {  	_ =	sdelay $0x2  }
0x47: {  	s16 =	simm.s32 $0x2000;
	p1 =	por $0x0, $0x0  }
.Ltmp6:
0x48: {  	(pc) =	sbr.rel .LBB1_9-.Ltmp6, $4  }
0x49: {  	_ = 	snop  }
0x4a: {  	s12 =	sshll.u32 s12, $0xA  }
0x4b: {  	s12 =	sadd.s32 s4, s12  }
0x4c: {  	[hbm4b:s12+s8] =	stream.linear.scatter [tilespmem:s13], [sflag:$0x2], $0x4000, $0x38;
	[tilespmem:$0x10000] =	vst v63  }
.LBB1_10:
0x4d: {  	_ =	sfence.sel $0x180000  }
0x4e: {  	s2 =	simm.s32 $0x1;
	[bflag:$0x0] =	sbarrier.arrive $0xFFFF  }
0x4f: {  	s31 =	simm.s32 $0x2;
	[sflag:s2] =	ssyncpa.u1 $0x1  }
0x50: {  	[sflag:s31] =	ssyncpa.u1 $0x1  }
0x51: {  	p0 =	sne.s32 s0, $0x0;
	_ =	strace $0x90000047  }
0x52: {  	s0 =	sadd.s32 @!p0 $0x100000, s1;
	[bflag:$0x2] =	sbarrier.arrive $0xFFFF  }
0x53: {  	[sflag:s0] =	ssyncadd.tile.s32 @!p0 $0x1;
	_ =	shalt  }
.Lfunc_end1:
_tile_overlayer_lowered:
.L_overlay_start_2:
0x54: {  	(tag) =	ssettag $0x2  }
0x55: {  	s0 =	rddreg [dreg:$0x0];
	s2 =	stileid.u32  }
0x56: {  	s1 =	rddreg [dreg:$0x1];
	p0 =	sne.s32 s2, $0x0  }
0x57: {  	s3 =	rddreg [dreg:$0x2];
	[bflag:$0x3] =	sbarrier.arrive $0xFFFF;
	s2 =	simm.s32 @!p0 $0x1C01  }
0x58: {  	[timem:s3], [sflag:s2] =	dma.local @!p0 [hbm:s0], s1  }
0x59: {  	s0 =	simm.s32 @!p0 $0x1  }
0x5a: {  	_ =	swait.ge @!p0 [sflag:s0], s1  }
0x5b: {  	s1 =	ssub.s32 @!p0 $0x0, s1;
	[sflag:s0] =	ssyncset.done @!p0 $0x0  }
0x5c: {  	[sflag:s0] =	ssyncadd.s32 @!p0 s1  }
0x5d: {  	[bflag:$0x3] =	sbarrier.arrive $0xFFFF  }
0x5e: {  	_ =	shalt  }

</sc_bundles>
